<compile_context>
chip_gen: v7x
topology: tpu7x:2x2x1
jax: 0.10.2.dev20260603
libtpu: 0.0.44.dev20260713+nightly
codegen_flags: <defaults>
</compile_context>

<pallas_src>
import functools

import jax
import jax.numpy as jnp
from jax import lax
from jax.experimental import pallas as pl
from jax.experimental.pallas import tpu as pltpu
from jax.experimental.pallas import tpu_sc as plsc

_NCHUNK = 4
_C = 128


def _make_gather(V, D, B):
  info = plsc.get_sparse_core_info()
  NW = info.num_cores * info.num_subcores
  b_per_w = B // NW
  assert b_per_w == _NCHUNK * _C
  mesh = plsc.VectorSubcoreMesh(core_axis_name="c", subcore_axis_name="s")

  @functools.partial(
      pl.kernel,
      out_type=jax.ShapeDtypeStruct((B, D), jnp.float32),
      mesh=mesh,
      scratch_types=[
          pltpu.VMEM((b_per_w,), jnp.int32),
          pltpu.VMEM((b_per_w, D), jnp.float32),
          pltpu.SemaphoreType.DMA,
          pltpu.SemaphoreType.DMA,
      ],
  )
  def gather_kernel(idx_hbm, table_hbm, out_hbm, idx_v, rows_v,
                    sem_g, sem_s):
    wid = lax.axis_index("s") * info.num_cores + lax.axis_index("c")
    base = wid * b_per_w
    pltpu.sync_copy(idx_hbm.at[pl.ds(base, b_per_w)], idx_v)

    def issue(g, carry):
      v = idx_v[pl.ds(g * 16, 16)]
      for i in range(16):
        r = v[i]
        pltpu.async_copy(
            table_hbm.at[r >> 3, pl.ds(r & 7, 1)],
            rows_v.at[pl.ds(g * 16 + i, 1)], sem_g)
      return carry

    lax.fori_loop(0, b_per_w // 16, issue, 0, unroll=2)

    writes = []
    for ch in range(_NCHUNK):
      pltpu.make_async_copy(
          table_hbm.at[pl.ds(0, _C // 8)],
          rows_v.at[pl.ds(ch * _C, _C)], sem_g).wait()
      writes.append(pltpu.async_copy(
          rows_v.at[pl.ds(ch * _C, _C)],
          out_hbm.at[pl.ds(base + ch * _C, _C)], sem_s))
    for w in writes:
      w.wait()

  return gather_kernel


def kernel(task_ids, table):
  B = task_ids.shape[0]
  V, D = table.shape
  fn = _make_gather(V, D, B)
  return fn(task_ids.astype(jnp.int32), table.reshape(V // 8, 8, D))

# --- scband reference (transcript-rebuilt; emitter-appended) ---
"""Pipeline reference for scband-task-embeddings-27255862460882 (READ-ONLY COPY).

The authoritative reference and input builder live on the scoring server;
editing this copy changes nothing except your own understanding.
"""

import jax, jax.numpy as jnp
import numpy as np

NUM_TASKS = 100000
D_MODEL = 64
BATCH = 16384


def setup_inputs(seed: int = 0) -> dict:
    key = jax.random.key(seed)
    k_idx, k_tab = jax.random.split(key)
    task_ids = jax.random.randint(k_idx, (BATCH,), 0, NUM_TASKS, dtype=jnp.int64 if jax.config.read('jax_enable_x64') else jnp.int32)
    table = jax.random.normal(k_tab, (NUM_TASKS, D_MODEL), dtype=jnp.float32)
    return {"task_ids": task_ids, "table": table}


def reference(task_ids, table):
    # nn.Embedding forward: row gather from the embedding table
    return jnp.take(table, task_ids, axis=0)

if __name__ == "__main__":
    import jax
    _d = setup_inputs()
    print(jax.jit(kernel)(*tuple(_d.values())))

</pallas_src>

<mosaic_0001>
#map = affine_map<(d0, d1) -> (0)>
#map1 = affine_map<(d0, d1) -> (0, 0, 0)>
#map2 = affine_map<(d0, d1) -> (0, 0)>
module attributes {stable_mosaic.version = 14 : i64} {
  func.func @gather_kernel(%arg0: i32, %arg1: i32, %arg2: memref<16384xi32, #tpu.memory_space<hbm>>, %arg3: memref<12500x8x64xf32, #tpu.memory_space<hbm>>, %arg4: memref<16384x64xf32, #tpu.memory_space<hbm>>, %arg5: memref<512xi32, #tpu.memory_space<vmem>>, %arg6: memref<512x64xf32, #tpu.memory_space<vmem>>, %arg7: memref<!tpu.dma_semaphore, #tpu.memory_space<semaphore_mem>>, %arg8: memref<!tpu.dma_semaphore, #tpu.memory_space<semaphore_mem>>) attributes {dimension_semantics = [#tpu.dimension_semantics<core_parallel>, #tpu.dimension_semantics<subcore_parallel>], iteration_bounds = array<i64: 2, 16>, scalar_prefetch = 0 : i64, scratch_operands = 4 : i64, tpu.core_type = #tpu.core_type<sc_vector_subcore>, window_params = [{transform_indices = #map}, {transform_indices = #map1}, {transform_indices = #map2}]} {
    %mul3A = arith.constant 2 : i32
    %mul3A_0 = arith.muli %arg1, %mul3A : i32
    %add3A = arith.addi %mul3A_0, %arg0 : i32
    %mul3A_1 = arith.constant 512 : i32
    %mul3A_2 = arith.muli %add3A, %mul3A_1 : i32
    "tpu.region"() ({
      %run_scoped3A = tpu.sem_alloc : memref<!tpu.dma_semaphore, #tpu.memory_space<semaphore_mem>>
      %dma_start3A_150 = tpu.memref_slice %arg2[%mul3A_2] : memref<16384xi32, #tpu.memory_space<hbm>> -> memref<512xi32, #tpu.memory_space<hbm>>
      %dma_start3A_151 = tpu.memref_slice %arg2[%mul3A_2] : memref<16384xi32, #tpu.memory_space<hbm>> -> memref<512xi32, #tpu.memory_space<hbm>>
      tpu.enqueue_dma source(%dma_start3A_151 : memref<512xi32, #tpu.memory_space<hbm>>) target(%arg5 : memref<512xi32, #tpu.memory_space<vmem>>) target_semaphore(%run_scoped3A : memref<!tpu.dma_semaphore, #tpu.memory_space<semaphore_mem>>)
      %dma_wait3A_152 = tpu.memref_slice %arg2[%mul3A_2] : memref<16384xi32, #tpu.memory_space<hbm>> -> memref<512xi32, #tpu.memory_space<hbm>>
      %dma_wait3A_153 = tpu.memref_slice %arg2[%mul3A_2] : memref<16384xi32, #tpu.memory_space<hbm>> -> memref<512xi32, #tpu.memory_space<hbm>>
      tpu.wait_dma2 semaphore(%run_scoped3A : memref<!tpu.dma_semaphore, #tpu.memory_space<semaphore_mem>>) src(%dma_wait3A_153 : memref<512xi32, #tpu.memory_space<hbm>>) dst(%arg5 : memref<512xi32, #tpu.memory_space<vmem>>)
      tpu.yield
    }) : () -> ()
    %scan3A = arith.constant 0 : i32
    %scan3A_3 = arith.constant 0 : i32
    %scan3A_4 = arith.constant 32 : i32
    %scan3A_5 = arith.addi %scan3A_3, %scan3A_4 : i32
    %scan3A_6 = arith.constant 2 : i32
    scf.for %scan3A_150 = %scan3A_3 to %scan3A_5 step %scan3A_6  : i32 {
      %mul3A_151 = arith.constant 16 : i32
      %mul3A_152 = arith.muli %scan3A_150, %mul3A_151 : i32
      %get3A = arith.index_cast %mul3A_152 : i32 to index
      %get3A_153 = tpu.vector_load %arg5[%get3A] {strides = array<i32>} : memref<512xi32, #tpu.memory_space<vmem>>, vector<16xi32>,
      %get3A_154 = vector.shape_cast %get3A_153 : vector<16xi32> to vector<16xi32>
      %slice3A = vector.extract_strided_slice %get3A_154 {offsets = [0], sizes = [1], strides = [1]} : vector<16xi32> to vector<1xi32>
      %squeeze3A = vector.extract %slice3A[0] : i32 from vector<1xi32>
      %shift_right_arithmetic3A = arith.constant 3 : i32
      %shift_right_arithmetic3A_155 = arith.shrsi %squeeze3A, %shift_right_arithmetic3A : i32
      %and3A = arith.constant 7 : i32
      %and3A_156 = arith.andi %squeeze3A, %and3A : i32
      %mul3A_157 = arith.constant 16 : i32
      %mul3A_158 = arith.muli %scan3A_150, %mul3A_157 : i32
      %add3A_159 = arith.constant 0 : i32
      %add3A_160 = arith.addi %mul3A_158, %add3A_159 : i32
      %dma_start3A_161 = arith.constant 0 : i32
      %dma_start3A_162 = tpu.memref_slice %arg6[%add3A_160, %dma_start3A_161] : memref<512x64xf32, #tpu.memory_space<vmem>> -> memref<1x64xf32, #tpu.memory_space<vmem>>
      %dma_start3A_163 = arith.constant 0 : i32
      %dma_start3A_164 = tpu.memref_slice %arg3[%shift_right_arithmetic3A_155, %and3A_156, %dma_start3A_163] : memref<12500x8x64xf32, #tpu.memory_space<hbm>> -> memref<1x1x64xf32, #tpu.memory_space<hbm>>
      %dma_start3A_165 = tpu.memref_squeeze %dma_start3A_164 : memref<1x1x64xf32, #tpu.memory_space<hbm>> -> memref<1x64xf32, #tpu.memory_space<hbm>>
      %dma_start3A_166 = arith.constant 0 : i32
      %dma_start3A_167 = tpu.memref_slice %arg6[%add3A_160, %dma_start3A_166] : memref<512x64xf32, #tpu.memory_space<vmem>> -> memref<1x64xf32, #tpu.memory_space<vmem>>
      %dma_start3A_168 = arith.constant 0 : i32
      %dma_start3A_169 = tpu.memref_slice %arg3[%shift_right_arithmetic3A_155, %and3A_156, %dma_start3A_168] : memref<12500x8x64xf32, #tpu.memory_space<hbm>> -> memref<1x1x64xf32, #tpu.memory_space<hbm>>
      %dma_start3A_170 = tpu.memref_squeeze %dma_start3A_169 : memref<1x1x64xf32, #tpu.memory_space<hbm>> -> memref<1x64xf32, #tpu.memory_space<hbm>>
      tpu.enqueue_dma source(%dma_start3A_170 : memref<1x64xf32, #tpu.memory_space<hbm>>) target(%dma_start3A_167 : memref<1x64xf32, #tpu.memory_space<vmem>>) target_semaphore(%arg7 : memref<!tpu.dma_semaphore, #tpu.memory_space<semaphore_mem>>)
      %slice3A_171 = vector.extract_strided_slice %get3A_154 {offsets = [1], sizes = [1], strides = [1]} : vector<16xi32> to vector<1xi32>
      %squeeze3A_172 = vector.extract %slice3A_171[0] : i32 from vector<1xi32>
      %shift_right_arithmetic3A_173 = arith.constant 3 : i32
      %shift_right_arithmetic3A_174 = arith.shrsi %squeeze3A_172, %shift_right_arithmetic3A_173 : i32
      %and3A_175 = arith.constant 7 : i32
      %and3A_176 = arith.andi %squeeze3A_172, %and3A_175 : i32
      %mul3A_177 = arith.constant 16 : i32
      %mul3A_178 = arith.muli %scan3A_150, %mul3A_177 : i32
      %add3A_179 = arith.constant 1 : i32
      %add3A_180 = arith.addi %mul3A_178, %add3A_179 : i32
      %dma_start3A_181 = arith.constant 0 : i32
      %dma_start3A_182 = tpu.memref_slice %arg6[%add3A_180, %dma_start3A_181] : memref<512x64xf32, #tpu.memory_space<vmem>> -> memref<1x64xf32, #tpu.memory_space<vmem>>
      %dma_start3A_183 = arith.constant 0 : i32
      %dma_start3A_184 = tpu.memref_slice %arg3[%shift_right_arithmetic3A_174, %and3A_176, %dma_start3A_183] : memref<12500x8x64xf32, #tpu.memory_space<hbm>> -> memref<1x1x64xf32, #tpu.memory_space<hbm>>
      %dma_start3A_185 = tpu.memref_squeeze %dma_start3A_184 : memref<1x1x64xf32, #tpu.memory_space<hbm>> -> memref<1x64xf32, #tpu.memory_space<hbm>>
      %dma_start3A_186 = arith.constant 0 : i32
      %dma_start3A_187 = tpu.memref_slice %arg6[%add3A_180, %dma_start3A_186] : memref<512x64xf32, #tpu.memory_space<vmem>> -> memref<1x64xf32, #tpu.memory_space<vmem>>
      %dma_start3A_188 = arith.constant 0 : i32
      %dma_start3A_189 = tpu.memref_slice %arg3[%shift_right_arithmetic3A_174, %and3A_176, %dma_start3A_188] : memref<12500x8x64xf32, #tpu.memory_space<hbm>> -> memref<1x1x64xf32, #tpu.memory_space<hbm>>
      %dma_start3A_190 = tpu.memref_squeeze %dma_start3A_189 : memref<1x1x64xf32, #tpu.memory_space<hbm>> -> memref<1x64xf32, #tpu.memory_space<hbm>>
      tpu.enqueue_dma source(%dma_start3A_190 : memref<1x64xf32, #tpu.memory_space<hbm>>) target(%dma_start3A_187 : memref<1x64xf32, #tpu.memory_space<vmem>>) target_semaphore(%arg7 : memref<!tpu.dma_semaphore, #tpu.memory_space<semaphore_mem>>)
      %slice3A_191 = vector.extract_strided_slice %get3A_154 {offsets = [2], sizes = [1], strides = [1]} : vector<16xi32> to vector<1xi32>
      %squeeze3A_192 = vector.extract %slice3A_191[0] : i32 from vector<1xi32>
      %shift_right_arithmetic3A_193 = arith.constant 3 : i32
      %shift_right_arithmetic3A_194 = arith.shrsi %squeeze3A_192, %shift_right_arithmetic3A_193 : i32
      %and3A_195 = arith.constant 7 : i32
      %and3A_196 = arith.andi %squeeze3A_192, %and3A_195 : i32
      %mul3A_197 = arith.constant 16 : i32
      %mul3A_198 = arith.muli %scan3A_150, %mul3A_197 : i32
      %add3A_199 = arith.constant 2 : i32
      %add3A_200 = arith.addi %mul3A_198, %add3A_199 : i32
      %dma_start3A_201 = arith.constant 0 : i32
      %dma_start3A_202 = tpu.memref_slice %arg6[%add3A_200, %dma_start3A_201] : memref<512x64xf32, #tpu.memory_space<vmem>> -> memref<1x64xf32, #tpu.memory_space<vmem>>
      %dma_start3A_203 = arith.constant 0 : i32
      %dma_start3A_204 = tpu.memref_slice %arg3[%shift_right_arithmetic3A_194, %and3A_196, %dma_start3A_203] : memref<12500x8x64xf32, #tpu.memory_space<hbm>> -> memref<1x1x64xf32, #tpu.memory_space<hbm>>
      %dma_start3A_205 = tpu.memref_squeeze %dma_start3A_204 : memref<1x1x64xf32, #tpu.memory_space<hbm>> -> memref<1x64xf32, #tpu.memory_space<hbm>>
      %dma_start3A_206 = arith.constant 0 : i32
      %dma_start3A_207 = tpu.memref_slice %arg6[%add3A_200, %dma_start3A_206] : memref<512x64xf32, #tpu.memory_space<vmem>> -> memref<1x64xf32, #tpu.memory_space<vmem>>
      %dma_start3A_208 = arith.constant 0 : i32
      %dma_start3A_209 = tpu.memref_slice %arg3[%shift_right_arithmetic3A_194, %and3A_196, %dma_start3A_208] : memref<12500x8x64xf32, #tpu.memory_space<hbm>> -> memref<1x1x64xf32, #tpu.memory_space<hbm>>
      %dma_start3A_210 = tpu.memref_squeeze %dma_start3A_209 : memref<1x1x64xf32, #tpu.memory_space<hbm>> -> memref<1x64xf32, #tpu.memory_space<hbm>>
      tpu.enqueue_dma source(%dma_start3A_210 : memref<1x64xf32, #tpu.memory_space<hbm>>) target(%dma_start3A_207 : memref<1x64xf32, #tpu.memory_space<vmem>>) target_semaphore(%arg7 : memref<!tpu.dma_semaphore, #tpu.memory_space<semaphore_mem>>)
      %slice3A_211 = vector.extract_strided_slice %get3A_154 {offsets = [3], sizes = [1], strides = [1]} : vector<16xi32> to vector<1xi32>
      %squeeze3A_212 = vector.extract %slice3A_211[0] : i32 from vector<1xi32>
      %shift_right_arithmetic3A_213 = arith.constant 3 : i32
      %shift_right_arithmetic3A_214 = arith.shrsi %squeeze3A_212, %shift_right_arithmetic3A_213 : i32
      %and3A_215 = arith.constant 7 : i32
      %and3A_216 = arith.andi %squeeze3A_212, %and3A_215 : i32
      %mul3A_217 = arith.constant 16 : i32
      %mul3A_218 = arith.muli %scan3A_150, %mul3A_217 : i32
      %add3A_219 = arith.constant 3 : i32
      %add3A_220 = arith.addi %mul3A_218, %add3A_219 : i32
      %dma_start3A_221 = arith.constant 0 : i32
      %dma_start3A_222 = tpu.memref_slice %arg6[%add3A_220, %dma_start3A_221] : memref<512x64xf32, #tpu.memory_space<vmem>> -> memref<1x64xf32, #tpu.memory_space<vmem>>
      %dma_start3A_223 = arith.constant 0 : i32
      %dma_start3A_224 = tpu.memref_slice %arg3[%shift_right_arithmetic3A_214, %and3A_216, %dma_start3A_223] : memref<12500x8x64xf32, #tpu.memory_space<hbm>> -> memref<1x1x64xf32, #tpu.memory_space<hbm>>
      %dma_start3A_225 = tpu.memref_squeeze %dma_start3A_224 : memref<1x1x64xf32, #tpu.memory_space<hbm>> -> memref<1x64xf32, #tpu.memory_space<hbm>>
      %dma_start3A_226 = arith.constant 0 : i32
      %dma_start3A_227 = tpu.memref_slice %arg6[%add3A_220, %dma_start3A_226] : memref<512x64xf32, #tpu.memory_space<vmem>> -> memref<1x64xf32, #tpu.memory_space<vmem>>
      %dma_start3A_228 = arith.constant 0 : i32
      %dma_start3A_229 = tpu.memref_slice %arg3[%shift_right_arithmetic3A_214, %and3A_216, %dma_start3A_228] : memref<12500x8x64xf32, #tpu.memory_space<hbm>> -> memref<1x1x64xf32, #tpu.memory_space<hbm>>
      %dma_start3A_230 = tpu.memref_squeeze %dma_start3A_229 : memref<1x1x64xf32, #tpu.memory_space<hbm>> -> memref<1x64xf32, #tpu.memory_space<hbm>>
      tpu.enqueue_dma source(%dma_start3A_230 : memref<1x64xf32, #tpu.memory_space<hbm>>) target(%dma_start3A_227 : memref<1x64xf32, #tpu.memory_space<vmem>>) target_semaphore(%arg7 : memref<!tpu.dma_semaphore, #tpu.memory_space<semaphore_mem>>)
      %slice3A_231 = vector.extract_strided_slice %get3A_154 {offsets = [4], sizes = [1], strides = [1]} : vector<16xi32> to vector<1xi32>
      %squeeze3A_232 = vector.extract %slice3A_231[0] : i32 from vector<1xi32>
      %shift_right_arithmetic3A_233 = arith.constant 3 : i32
      %shift_right_arithmetic3A_234 = arith.shrsi %squeeze3A_232, %shift_right_arithmetic3A_233 : i32
      %and3A_235 = arith.constant 7 : i32
      %and3A_236 = arith.andi %squeeze3A_232, %and3A_235 : i32
      %mul3A_237 = arith.constant 16 : i32
      %mul3A_238 = arith.muli %scan3A_150, %mul3A_237 : i32
      %add3A_239 = arith.constant 4 : i32
      %add3A_240 = arith.addi %mul3A_238, %add3A_239 : i32
      %dma_start3A_241 = arith.constant 0 : i32
      %dma_start3A_242 = tpu.memref_slice %arg6[%add3A_240, %dma_start3A_241] : memref<512x64xf32, #tpu.memory_space<vmem>> -> memref<1x64xf32, #tpu.memory_space<vmem>>
      %dma_start3A_243 = arith.constant 0 : i32
      %dma_start3A_244 = tpu.memref_slice %arg3[%shift_right_arithmetic3A_234, %and3A_236, %dma_start3A_243] : memref<12500x8x64xf32, #tpu.memory_space<hbm>> -> memref<1x1x64xf32, #tpu.memory_space<hbm>>
      %dma_start3A_245 = tpu.memref_squeeze %dma_start3A_244 : memref<1x1x64xf32, #tpu.memory_space<hbm>> -> memref<1x64xf32, #tpu.memory_space<hbm>>
      %dma_start3A_246 = arith.constant 0 : i32
      %dma_start3A_247 = tpu.memref_slice %arg6[%add3A_240, %dma_start3A_246] : memref<512x64xf32, #tpu.memory_space<vmem>> -> memref<1x64xf32, #tpu.memory_space<vmem>>
      %dma_start3A_248 = arith.constant 0 : i32
      %dma_start3A_249 = tpu.memref_slice %arg3[%shift_right_arithmetic3A_234, %and3A_236, %dma_start3A_248] : memref<12500x8x64xf32, #tpu.memory_space<hbm>> -> memref<1x1x64xf32, #tpu.memory_space<hbm>>
      %dma_start3A_250 = tpu.memref_squeeze %dma_start3A_249 : memref<1x1x64xf32, #tpu.memory_space<hbm>> -> memref<1x64xf32, #tpu.memory_space<hbm>>
      tpu.enqueue_dma source(%dma_start3A_250 : memref<1x64xf32, #tpu.memory_space<hbm>>) target(%dma_start3A_247 : memref<1x64xf32, #tpu.memory_space<vmem>>) target_semaphore(%arg7 : memref<!tpu.dma_semaphore, #tpu.memory_space<semaphore_mem>>)
      %slice3A_251 = vector.extract_strided_slice %get3A_154 {offsets = [5], sizes = [1], strides = [1]} : vector<16xi32> to vector<1xi32>
      %squeeze3A_252 = vector.extract %slice3A_251[0] : i32 from vector<1xi32>
      %shift_right_arithmetic3A_253 = arith.constant 3 : i32
      %shift_right_arithmetic3A_254 = arith.shrsi %squeeze3A_252, %shift_right_arithmetic3A_253 : i32
      %and3A_255 = arith.constant 7 : i32
      %and3A_256 = arith.andi %squeeze3A_252, %and3A_255 : i32
      %mul3A_257 = arith.constant 16 : i32
      %mul3A_258 = arith.muli %scan3A_150, %mul3A_257 : i32
      %add3A_259 = arith.constant 5 : i32
      %add3A_260 = arith.addi %mul3A_258, %add3A_259 : i32
      %dma_start3A_261 = arith.constant 0 : i32
      %dma_start3A_262 = tpu.memref_slice %arg6[%add3A_260, %dma_start3A_261] : memref<512x64xf32, #tpu.memory_space<vmem>> -> memref<1x64xf32, #tpu.memory_space<vmem>>
      %dma_start3A_263 = arith.constant 0 : i32
      %dma_start3A_264 = tpu.memref_slice %arg3[%shift_right_arithmetic3A_254, %and3A_256, %dma_start3A_263] : memref<12500x8x64xf32, #tpu.memory_space<hbm>> -> memref<1x1x64xf32, #tpu.memory_space<hbm>>
      %dma_start3A_265 = tpu.memref_squeeze %dma_start3A_264 : memref<1x1x64xf32, #tpu.memory_space<hbm>> -> memref<1x64xf32, #tpu.memory_space<hbm>>
      %dma_start3A_266 = arith.constant 0 : i32
      %dma_start3A_267 = tpu.memref_slice %arg6[%add3A_260, %dma_start3A_266] : memref<512x64xf32, #tpu.memory_space<vmem>> -> memref<1x64xf32, #tpu.memory_space<vmem>>
      %dma_start3A_268 = arith.constant 0 : i32
      %dma_start3A_269 = tpu.memref_slice %arg3[%shift_right_arithmetic3A_254, %and3A_256, %dma_start3A_268] : memref<12500x8x64xf32, #tpu.memory_space<hbm>> -> memref<1x1x64xf32, #tpu.memory_space<hbm>>
      %dma_start3A_270 = tpu.memref_squeeze %dma_start3A_269 : memref<1x1x64xf32, #tpu.memory_space<hbm>> -> memref<1x64xf32, #tpu.memory_space<hbm>>
      tpu.enqueue_dma source(%dma_start3A_270 : memref<1x64xf32, #tpu.memory_space<hbm>>) target(%dma_start3A_267 : memref<1x64xf32, #tpu.memory_space<vmem>>) target_semaphore(%arg7 : memref<!tpu.dma_semaphore, #tpu.memory_space<semaphore_mem>>)
      %slice3A_271 = vector.extract_strided_slice %get3A_154 {offsets = [6], sizes = [1], strides = [1]} : vector<16xi32> to vector<1xi32>
      %squeeze3A_272 = vector.extract %slice3A_271[0] : i32 from vector<1xi32>
      %shift_right_arithmetic3A_273 = arith.constant 3 : i32
      %shift_right_arithmetic3A_274 = arith.shrsi %squeeze3A_272, %shift_right_arithmetic3A_273 : i32
      %and3A_275 = arith.constant 7 : i32
      %and3A_276 = arith.andi %squeeze3A_272, %and3A_275 : i32
      %mul3A_277 = arith.constant 16 : i32
      %mul3A_278 = arith.muli %scan3A_150, %mul3A_277 : i32
      %add3A_279 = arith.constant 6 : i32
      %add3A_280 = arith.addi %mul3A_278, %add3A_279 : i32
      %dma_start3A_281 = arith.constant 0 : i32
      %dma_start3A_282 = tpu.memref_slice %arg6[%add3A_280, %dma_start3A_281] : memref<512x64xf32, #tpu.memory_space<vmem>> -> memref<1x64xf32, #tpu.memory_space<vmem>>
      %dma_start3A_283 = arith.constant 0 : i32
      %dma_start3A_284 = tpu.memref_slice %arg3[%shift_right_arithmetic3A_274, %and3A_276, %dma_start3A_283] : memref<12500x8x64xf32, #tpu.memory_space<hbm>> -> memref<1x1x64xf32, #tpu.memory_space<hbm>>
      %dma_start3A_285 = tpu.memref_squeeze %dma_start3A_284 : memref<1x1x64xf32, #tpu.memory_space<hbm>> -> memref<1x64xf32, #tpu.memory_space<hbm>>
      %dma_start3A_286 = arith.constant 0 : i32
      %dma_start3A_287 = tpu.memref_slice %arg6[%add3A_280, %dma_start3A_286] : memref<512x64xf32, #tpu.memory_space<vmem>> -> memref<1x64xf32, #tpu.memory_space<vmem>>
      %dma_start3A_288 = arith.constant 0 : i32
      %dma_start3A_289 = tpu.memref_slice %arg3[%shift_right_arithmetic3A_274, %and3A_276, %dma_start3A_288] : memref<12500x8x64xf32, #tpu.memory_space<hbm>> -> memref<1x1x64xf32, #tpu.memory_space<hbm>>
      %dma_start3A_290 = tpu.memref_squeeze %dma_start3A_289 : memref<1x1x64xf32, #tpu.memory_space<hbm>> -> memref<1x64xf32, #tpu.memory_space<hbm>>
      tpu.enqueue_dma source(%dma_start3A_290 : memref<1x64xf32, #tpu.memory_space<hbm>>) target(%dma_start3A_287 : memref<1x64xf32, #tpu.memory_space<vmem>>) target_semaphore(%arg7 : memref<!tpu.dma_semaphore, #tpu.memory_space<semaphore_mem>>)
      %slice3A_291 = vector.extract_strided_slice %get3A_154 {offsets = [7], sizes = [1], strides = [1]} : vector<16xi32> to vector<1xi32>
      %squeeze3A_292 = vector.extract %slice3A_291[0] : i32 from vector<1xi32>
      %shift_right_arithmetic3A_293 = arith.constant 3 : i32
      %shift_right_arithmetic3A_294 = arith.shrsi %squeeze3A_292, %shift_right_arithmetic3A_293 : i32
      %and3A_295 = arith.constant 7 : i32
      %and3A_296 = arith.andi %squeeze3A_292, %and3A_295 : i32
      %mul3A_297 = arith.constant 16 : i32
      %mul3A_298 = arith.muli %scan3A_150, %mul3A_297 : i32
      %add3A_299 = arith.constant 7 : i32
      %add3A_300 = arith.addi %mul3A_298, %add3A_299 : i32
      %dma_start3A_301 = arith.constant 0 : i32
      %dma_start3A_302 = tpu.memref_slice %arg6[%add3A_300, %dma_start3A_301] : memref<512x64xf32, #tpu.memory_space<vmem>> -> memref<1x64xf32, #tpu.memory_space<vmem>>
      %dma_start3A_303 = arith.constant 0 : i32
      %dma_start3A_304 = tpu.memref_slice %arg3[%shift_right_arithmetic3A_294, %and3A_296, %dma_start3A_303] : memref<12500x8x64xf32, #tpu.memory_space<hbm>> -> memref<1x1x64xf32, #tpu.memory_space<hbm>>
      %dma_start3A_305 = tpu.memref_squeeze %dma_start3A_304 : memref<1x1x64xf32, #tpu.memory_space<hbm>> -> memref<1x64xf32, #tpu.memory_space<hbm>>
      %dma_start3A_306 = arith.constant 0 : i32
      %dma_start3A_307 = tpu.memref_slice %arg6[%add3A_300, %dma_start3A_306] : memref<512x64xf32, #tpu.memory_space<vmem>> -> memref<1x64xf32, #tpu.memory_space<vmem>>
      %dma_start3A_308 = arith.constant 0 : i32
      %dma_start3A_309 = tpu.memref_slice %arg3[%shift_right_arithmetic3A_294, %and3A_296, %dma_start3A_308] : memref<12500x8x64xf32, #tpu.memory_space<hbm>> -> memref<1x1x64xf32, #tpu.memory_space<hbm>>
      %dma_start3A_310 = tpu.memref_squeeze %dma_start3A_309 : memref<1x1x64xf32, #tpu.memory_space<hbm>> -> memref<1x64xf32, #tpu.memory_space<hbm>>
      tpu.enqueue_dma source(%dma_start3A_310 : memref<1x64xf32, #tpu.memory_space<hbm>>) target(%dma_start3A_307 : memref<1x64xf32, #tpu.memory_space<vmem>>) target_semaphore(%arg7 : memref<!tpu.dma_semaphore, #tpu.memory_space<semaphore_mem>>)
      %slice3A_311 = vector.extract_strided_slice %get3A_154 {offsets = [8], sizes = [1], strides = [1]} : vector<16xi32> to vector<1xi32>
      %squeeze3A_312 = vector.extract %slice3A_311[0] : i32 from vector<1xi32>
      %shift_right_arithmetic3A_313 = arith.constant 3 : i32
      %shift_right_arithmetic3A_314 = arith.shrsi %squeeze3A_312, %shift_right_arithmetic3A_313 : i32
      %and3A_315 = arith.constant 7 : i32
      %and3A_316 = arith.andi %squeeze3A_312, %and3A_315 : i32
      %mul3A_317 = arith.constant 16 : i32
      %mul3A_318 = arith.muli %scan3A_150, %mul3A_317 : i32
      %add3A_319 = arith.constant 8 : i32
      %add3A_320 = arith.addi %mul3A_318, %add3A_319 : i32
      %dma_start3A_321 = arith.constant 0 : i32
      %dma_start3A_322 = tpu.memref_slice %arg6[%add3A_320, %dma_start3A_321] : memref<512x64xf32, #tpu.memory_space<vmem>> -> memref<1x64xf32, #tpu.memory_space<vmem>>
      %dma_start3A_323 = arith.constant 0 : i32
      %dma_start3A_324 = tpu.memref_slice %arg3[%shift_right_arithmetic3A_314, %and3A_316, %dma_start3A_323] : memref<12500x8x64xf32, #tpu.memory_space<hbm>> -> memref<1x1x64xf32, #tpu.memory_space<hbm>>
      %dma_start3A_325 = tpu.memref_squeeze %dma_start3A_324 : memref<1x1x64xf32, #tpu.memory_space<hbm>> -> memref<1x64xf32, #tpu.memory_space<hbm>>
      %dma_start3A_326 = arith.constant 0 : i32
      %dma_start3A_327 = tpu.memref_slice %arg6[%add3A_320, %dma_start3A_326] : memref<512x64xf32, #tpu.memory_space<vmem>> -> memref<1x64xf32, #tpu.memory_space<vmem>>
      %dma_start3A_328 = arith.constant 0 : i32
      %dma_start3A_329 = tpu.memref_slice %arg3[%shift_right_arithmetic3A_314, %and3A_316, %dma_start3A_328] : memref<12500x8x64xf32, #tpu.memory_space<hbm>> -> memref<1x1x64xf32, #tpu.memory_space<hbm>>
      %dma_start3A_330 = tpu.memref_squeeze %dma_start3A_329 : memref<1x1x64xf32, #tpu.memory_space<hbm>> -> memref<1x64xf32, #tpu.memory_space<hbm>>
      tpu.enqueue_dma source(%dma_start3A_330 : memref<1x64xf32, #tpu.memory_space<hbm>>) target(%dma_start3A_327 : memref<1x64xf32, #tpu.memory_space<vmem>>) target_semaphore(%arg7 : memref<!tpu.dma_semaphore, #tpu.memory_space<semaphore_mem>>)
      %slice3A_331 = vector.extract_strided_slice %get3A_154 {offsets = [9], sizes = [1], strides = [1]} : vector<16xi32> to vector<1xi32>
      %squeeze3A_332 = vector.extract %slice3A_331[0] : i32 from vector<1xi32>
      %shift_right_arithmetic3A_333 = arith.constant 3 : i32
      %shift_right_arithmetic3A_334 = arith.shrsi %squeeze3A_332, %shift_right_arithmetic3A_333 : i32
      %and3A_335 = arith.constant 7 : i32
      %and3A_336 = arith.andi %squeeze3A_332, %and3A_335 : i32
      %mul3A_337 = arith.constant 16 : i32
      %mul3A_338 = arith.muli %scan3A_150, %mul3A_337 : i32
      %add3A_339 = arith.constant 9 : i32
      %add3A_340 = arith.addi %mul3A_338, %add3A_339 : i32
      %dma_start3A_341 = arith.constant 0 : i32
      %dma_start3A_342 = tpu.memref_slice %arg6[%add3A_340, %dma_start3A_341] : memref<512x64xf32, #tpu.memory_space<vmem>> -> memref<1x64xf32, #tpu.memory_space<vmem>>
      %dma_start3A_343 = arith.constant 0 : i32
      %dma_start3A_344 = tpu.memref_slice %arg3[%shift_right_arithmetic3A_334, %and3A_336, %dma_start3A_343] : memref<12500x8x64xf32, #tpu.memory_space<hbm>> -> memref<1x1x64xf32, #tpu.memory_space<hbm>>
      %dma_start3A_345 = tpu.memref_squeeze %dma_start3A_344 : memref<1x1x64xf32, #tpu.memory_space<hbm>> -> memref<1x64xf32, #tpu.memory_space<hbm>>
      %dma_start3A_346 = arith.constant 0 : i32
      %dma_start3A_347 = tpu.memref_slice %arg6[%add3A_340, %dma_start3A_346] : memref<512x64xf32, #tpu.memory_space<vmem>> -> memref<1x64xf32, #tpu.memory_space<vmem>>
      %dma_start3A_348 = arith.constant 0 : i32
      %dma_start3A_349 = tpu.memref_slice %arg3[%shift_right_arithmetic3A_334, %and3A_336, %dma_start3A_348] : memref<12500x8x64xf32, #tpu.memory_space<hbm>> -> memref<1x1x64xf32, #tpu.memory_space<hbm>>
      %dma_start3A_350 = tpu.memref_squeeze %dma_start3A_349 : memref<1x1x64xf32, #tpu.memory_space<hbm>> -> memref<1x64xf32, #tpu.memory_space<hbm>>
      tpu.enqueue_dma source(%dma_start3A_350 : memref<1x64xf32, #tpu.memory_space<hbm>>) target(%dma_start3A_347 : memref<1x64xf32, #tpu.memory_space<vmem>>) target_semaphore(%arg7 : memref<!tpu.dma_semaphore, #tpu.memory_space<semaphore_mem>>)
      %slice3A_351 = vector.extract_strided_slice %get3A_154 {offsets = [10], sizes = [1], strides = [1]} : vector<16xi32> to vector<1xi32>
      %squeeze3A_352 = vector.extract %slice3A_351[0] : i32 from vector<1xi32>
      %shift_right_arithmetic3A_353 = arith.constant 3 : i32
      %shift_right_arithmetic3A_354 = arith.shrsi %squeeze3A_352, %shift_right_arithmetic3A_353 : i32
      %and3A_355 = arith.constant 7 : i32
      %and3A_356 = arith.andi %squeeze3A_352, %and3A_355 : i32
      %mul3A_357 = arith.constant 16 : i32
      %mul3A_358 = arith.muli %scan3A_150, %mul3A_357 : i32
      %add3A_359 = arith.constant 10 : i32
      %add3A_360 = arith.addi %mul3A_358, %add3A_359 : i32
      %dma_start3A_361 = arith.constant 0 : i32
      %dma_start3A_362 = tpu.memref_slice %arg6[%add3A_360, %dma_start3A_361] : memref<512x64xf32, #tpu.memory_space<vmem>> -> memref<1x64xf32, #tpu.memory_space<vmem>>
      %dma_start3A_363 = arith.constant 0 : i32
      %dma_start3A_364 = tpu.memref_slice %arg3[%shift_right_arithmetic3A_354, %and3A_356, %dma_start3A_363] : memref<12500x8x64xf32, #tpu.memory_space<hbm>> -> memref<1x1x64xf32, #tpu.memory_space<hbm>>
      %dma_start3A_365 = tpu.memref_squeeze %dma_start3A_364 : memref<1x1x64xf32, #tpu.memory_space<hbm>> -> memref<1x64xf32, #tpu.memory_space<hbm>>
      %dma_start3A_366 = arith.constant 0 : i32
      %dma_start3A_367 = tpu.memref_slice %arg6[%add3A_360, %dma_start3A_366] : memref<512x64xf32, #tpu.memory_space<vmem>> -> memref<1x64xf32, #tpu.memory_space<vmem>>
      %dma_start3A_368 = arith.constant 0 : i32
      %dma_start3A_369 = tpu.memref_slice %arg3[%shift_right_arithmetic3A_354, %and3A_356, %dma_start3A_368] : memref<12500x8x64xf32, #tpu.memory_space<hbm>> -> memref<1x1x64xf32, #tpu.memory_space<hbm>>
      %dma_start3A_370 = tpu.memref_squeeze %dma_start3A_369 : memref<1x1x64xf32, #tpu.memory_space<hbm>> -> memref<1x64xf32, #tpu.memory_space<hbm>>
      tpu.enqueue_dma source(%dma_start3A_370 : memref<1x64xf32, #tpu.memory_space<hbm>>) target(%dma_start3A_367 : memref<1x64xf32, #tpu.memory_space<vmem>>) target_semaphore(%arg7 : memref<!tpu.dma_semaphore, #tpu.memory_space<semaphore_mem>>)
      %slice3A_371 = vector.extract_strided_slice %get3A_154 {offsets = [11], sizes = [1], strides = [1]} : vector<16xi32> to vector<1xi32>
      %squeeze3A_372 = vector.extract %slice3A_371[0] : i32 from vector<1xi32>
      %shift_right_arithmetic3A_373 = arith.constant 3 : i32
      %shift_right_arithmetic3A_374 = arith.shrsi %squeeze3A_372, %shift_right_arithmetic3A_373 : i32
      %and3A_375 = arith.constant 7 : i32
      %and3A_376 = arith.andi %squeeze3A_372, %and3A_375 : i32
      %mul3A_377 = arith.constant 16 : i32
      %mul3A_378 = arith.muli %scan3A_150, %mul3A_377 : i32
      %add3A_379 = arith.constant 11 : i32
      %add3A_380 = arith.addi %mul3A_378, %add3A_379 : i32
      %dma_start3A_381 = arith.constant 0 : i32
      %dma_start3A_382 = tpu.memref_slice %arg6[%add3A_380, %dma_start3A_381] : memref<512x64xf32, #tpu.memory_space<vmem>> -> memref<1x64xf32, #tpu.memory_space<vmem>>
      %dma_start3A_383 = arith.constant 0 : i32
      %dma_start3A_384 = tpu.memref_slice %arg3[%shift_right_arithmetic3A_374, %and3A_376, %dma_start3A_383] : memref<12500x8x64xf32, #tpu.memory_space<hbm>> -> memref<1x1x64xf32, #tpu.memory_space<hbm>>
      %dma_start3A_385 = tpu.memref_squeeze %dma_start3A_384 : memref<1x1x64xf32, #tpu.memory_space<hbm>> -> memref<1x64xf32, #tpu.memory_space<hbm>>
      %dma_start3A_386 = arith.constant 0 : i32
      %dma_start3A_387 = tpu.memref_slice %arg6[%add3A_380, %dma_start3A_386] : memref<512x64xf32, #tpu.memory_space<vmem>> -> memref<1x64xf32, #tpu.memory_space<vmem>>
      %dma_start3A_388 = arith.constant 0 : i32
      %dma_start3A_389 = tpu.memref_slice %arg3[%shift_right_arithmetic3A_374, %and3A_376, %dma_start3A_388] : memref<12500x8x64xf32, #tpu.memory_space<hbm>> -> memref<1x1x64xf32, #tpu.memory_space<hbm>>
      %dma_start3A_390 = tpu.memref_squeeze %dma_start3A_389 : memref<1x1x64xf32, #tpu.memory_space<hbm>> -> memref<1x64xf32, #tpu.memory_space<hbm>>
      tpu.enqueue_dma source(%dma_start3A_390 : memref<1x64xf32, #tpu.memory_space<hbm>>) target(%dma_start3A_387 : memref<1x64xf32, #tpu.memory_space<vmem>>) target_semaphore(%arg7 : memref<!tpu.dma_semaphore, #tpu.memory_space<semaphore_mem>>)
      %slice3A_391 = vector.extract_strided_slice %get3A_154 {offsets = [12], sizes = [1], strides = [1]} : vector<16xi32> to vector<1xi32>
      %squeeze3A_392 = vector.extract %slice3A_391[0] : i32 from vector<1xi32>
      %shift_right_arithmetic3A_393 = arith.constant 3 : i32
      %shift_right_arithmetic3A_394 = arith.shrsi %squeeze3A_392, %shift_right_arithmetic3A_393 : i32
      %and3A_395 = arith.constant 7 : i32
      %and3A_396 = arith.andi %squeeze3A_392, %and3A_395 : i32
      %mul3A_397 = arith.constant 16 : i32
      %mul3A_398 = arith.muli %scan3A_150, %mul3A_397 : i32
      %add3A_399 = arith.constant 12 : i32
      %add3A_400 = arith.addi %mul3A_398, %add3A_399 : i32
      %dma_start3A_401 = arith.constant 0 : i32
      %dma_start3A_402 = tpu.memref_slice %arg6[%add3A_400, %dma_start3A_401] : memref<512x64xf32, #tpu.memory_space<vmem>> -> memref<1x64xf32, #tpu.memory_space<vmem>>
      %dma_start3A_403 = arith.constant 0 : i32
      %dma_start3A_404 = tpu.memref_slice %arg3[%shift_right_arithmetic3A_394, %and3A_396, %dma_start3A_403] : memref<12500x8x64xf32, #tpu.memory_space<hbm>> -> memref<1x1x64xf32, #tpu.memory_space<hbm>>
      %dma_start3A_405 = tpu.memref_squeeze %dma_start3A_404 : memref<1x1x64xf32, #tpu.memory_space<hbm>> -> memref<1x64xf32, #tpu.memory_space<hbm>>
      %dma_start3A_406 = arith.constant 0 : i32
      %dma_start3A_407 = tpu.memref_slice %arg6[%add3A_400, %dma_start3A_406] : memref<512x64xf32, #tpu.memory_space<vmem>> -> memref<1x64xf32, #tpu.memory_space<vmem>>
      %dma_start3A_408 = arith.constant 0 : i32
      %dma_start3A_409 = tpu.memref_slice %arg3[%shift_right_arithmetic3A_394, %and3A_396, %dma_start3A_408] : memref<12500x8x64xf32, #tpu.memory_space<hbm>> -> memref<1x1x64xf32, #tpu.memory_space<hbm>>
      %dma_start3A_410 = tpu.memref_squeeze %dma_start3A_409 : memref<1x1x64xf32, #tpu.memory_space<hbm>> -> memref<1x64xf32, #tpu.memory_space<hbm>>
      tpu.enqueue_dma source(%dma_start3A_410 : memref<1x64xf32, #tpu.memory_space<hbm>>) target(%dma_start3A_407 : memref<1x64xf32, #tpu.memory_space<vmem>>) target_semaphore(%arg7 : memref<!tpu.dma_semaphore, #tpu.memory_space<semaphore_mem>>)
      %slice3A_411 = vector.extract_strided_slice %get3A_154 {offsets = [13], sizes = [1], strides = [1]} : vector<16xi32> to vector<1xi32>
      %squeeze3A_412 = vector.extract %slice3A_411[0] : i32 from vector<1xi32>
      %shift_right_arithmetic3A_413 = arith.constant 3 : i32
      %shift_right_arithmetic3A_414 = arith.shrsi %squeeze3A_412, %shift_right_arithmetic3A_413 : i32
      %and3A_415 = arith.constant 7 : i32
      %and3A_416 = arith.andi %squeeze3A_412, %and3A_415 : i32
      %mul3A_417 = arith.constant 16 : i32
      %mul3A_418 = arith.muli %scan3A_150, %mul3A_417 : i32
      %add3A_419 = arith.constant 13 : i32
      %add3A_420 = arith.addi %mul3A_418, %add3A_419 : i32
      %dma_start3A_421 = arith.constant 0 : i32
      %dma_start3A_422 = tpu.memref_slice %arg6[%add3A_420, %dma_start3A_421] : memref<512x64xf32, #tpu.memory_space<vmem>> -> memref<1x64xf32, #tpu.memory_space<vmem>>
      %dma_start3A_423 = arith.constant 0 : i32
      %dma_start3A_424 = tpu.memref_slice %arg3[%shift_right_arithmetic3A_414, %and3A_416, %dma_start3A_423] : memref<12500x8x64xf32, #tpu.memory_space<hbm>> -> memref<1x1x64xf32, #tpu.memory_space<hbm>>
      %dma_start3A_425 = tpu.memref_squeeze %dma_start3A_424 : memref<1x1x64xf32, #tpu.memory_space<hbm>> -> memref<1x64xf32, #tpu.memory_space<hbm>>
      %dma_start3A_426 = arith.constant 0 : i32
      %dma_start3A_427 = tpu.memref_slice %arg6[%add3A_420, %dma_start3A_426] : memref<512x64xf32, #tpu.memory_space<vmem>> -> memref<1x64xf32, #tpu.memory_space<vmem>>
      %dma_start3A_428 = arith.constant 0 : i32
      %dma_start3A_429 = tpu.memref_slice %arg3[%shift_right_arithmetic3A_414, %and3A_416, %dma_start3A_428] : memref<12500x8x64xf32, #tpu.memory_space<hbm>> -> memref<1x1x64xf32, #tpu.memory_space<hbm>>
      %dma_start3A_430 = tpu.memref_squeeze %dma_start3A_429 : memref<1x1x64xf32, #tpu.memory_space<hbm>> -> memref<1x64xf32, #tpu.memory_space<hbm>>
      tpu.enqueue_dma source(%dma_start3A_430 : memref<1x64xf32, #tpu.memory_space<hbm>>) target(%dma_start3A_427 : memref<1x64xf32, #tpu.memory_space<vmem>>) target_semaphore(%arg7 : memref<!tpu.dma_semaphore, #tpu.memory_space<semaphore_mem>>)
      %slice3A_431 = vector.extract_strided_slice %get3A_154 {offsets = [14], sizes = [1], strides = [1]} : vector<16xi32> to vector<1xi32>
      %squeeze3A_432 = vector.extract %slice3A_431[0] : i32 from vector<1xi32>
      %shift_right_arithmetic3A_433 = arith.constant 3 : i32
      %shift_right_arithmetic3A_434 = arith.shrsi %squeeze3A_432, %shift_right_arithmetic3A_433 : i32
      %and3A_435 = arith.constant 7 : i32
      %and3A_436 = arith.andi %squeeze3A_432, %and3A_435 : i32
      %mul3A_437 = arith.constant 16 : i32
      %mul3A_438 = arith.muli %scan3A_150, %mul3A_437 : i32
      %add3A_439 = arith.constant 14 : i32
      %add3A_440 = arith.addi %mul3A_438, %add3A_439 : i32
      %dma_start3A_441 = arith.constant 0 : i32
      %dma_start3A_442 = tpu.memref_slice %arg6[%add3A_440, %dma_start3A_441] : memref<512x64xf32, #tpu.memory_space<vmem>> -> memref<1x64xf32, #tpu.memory_space<vmem>>
      %dma_start3A_443 = arith.constant 0 : i32
      %dma_start3A_444 = tpu.memref_slice %arg3[%shift_right_arithmetic3A_434, %and3A_436, %dma_start3A_443] : memref<12500x8x64xf32, #tpu.memory_space<hbm>> -> memref<1x1x64xf32, #tpu.memory_space<hbm>>
      %dma_start3A_445 = tpu.memref_squeeze %dma_start3A_444 : memref<1x1x64xf32, #tpu.memory_space<hbm>> -> memref<1x64xf32, #tpu.memory_space<hbm>>
      %dma_start3A_446 = arith.constant 0 : i32
      %dma_start3A_447 = tpu.memref_slice %arg6[%add3A_440, %dma_start3A_446] : memref<512x64xf32, #tpu.memory_space<vmem>> -> memref<1x64xf32, #tpu.memory_space<vmem>>
      %dma_start3A_448 = arith.constant 0 : i32
      %dma_start3A_449 = tpu.memref_slice %arg3[%shift_right_arithmetic3A_434, %and3A_436, %dma_start3A_448] : memref<12500x8x64xf32, #tpu.memory_space<hbm>> -> memref<1x1x64xf32, #tpu.memory_space<hbm>>
      %dma_start3A_450 = tpu.memref_squeeze %dma_start3A_449 : memref<1x1x64xf32, #tpu.memory_space<hbm>> -> memref<1x64xf32, #tpu.memory_space<hbm>>
      tpu.enqueue_dma source(%dma_start3A_450 : memref<1x64xf32, #tpu.memory_space<hbm>>) target(%dma_start3A_447 : memref<1x64xf32, #tpu.memory_space<vmem>>) target_semaphore(%arg7 : memref<!tpu.dma_semaphore, #tpu.memory_space<semaphore_mem>>)
      %slice3A_451 = vector.extract_strided_slice %get3A_154 {offsets = [15], sizes = [1], strides = [1]} : vector<16xi32> to vector<1xi32>
      %squeeze3A_452 = vector.extract %slice3A_451[0] : i32 from vector<1xi32>
      %shift_right_arithmetic3A_453 = arith.constant 3 : i32
      %shift_right_arithmetic3A_454 = arith.shrsi %squeeze3A_452, %shift_right_arithmetic3A_453 : i32
      %and3A_455 = arith.constant 7 : i32
      %and3A_456 = arith.andi %squeeze3A_452, %and3A_455 : i32
      %mul3A_457 = arith.constant 16 : i32
      %mul3A_458 = arith.muli %scan3A_150, %mul3A_457 : i32
      %add3A_459 = arith.constant 15 : i32
      %add3A_460 = arith.addi %mul3A_458, %add3A_459 : i32
      %dma_start3A_461 = arith.constant 0 : i32
      %dma_start3A_462 = tpu.memref_slice %arg6[%add3A_460, %dma_start3A_461] : memref<512x64xf32, #tpu.memory_space<vmem>> -> memref<1x64xf32, #tpu.memory_space<vmem>>
      %dma_start3A_463 = arith.constant 0 : i32
      %dma_start3A_464 = tpu.memref_slice %arg3[%shift_right_arithmetic3A_454, %and3A_456, %dma_start3A_463] : memref<12500x8x64xf32, #tpu.memory_space<hbm>> -> memref<1x1x64xf32, #tpu.memory_space<hbm>>
      %dma_start3A_465 = tpu.memref_squeeze %dma_start3A_464 : memref<1x1x64xf32, #tpu.memory_space<hbm>> -> memref<1x64xf32, #tpu.memory_space<hbm>>
      %dma_start3A_466 = arith.constant 0 : i32
      %dma_start3A_467 = tpu.memref_slice %arg6[%add3A_460, %dma_start3A_466] : memref<512x64xf32, #tpu.memory_space<vmem>> -> memref<1x64xf32, #tpu.memory_space<vmem>>
      %dma_start3A_468 = arith.constant 0 : i32
      %dma_start3A_469 = tpu.memref_slice %arg3[%shift_right_arithmetic3A_454, %and3A_456, %dma_start3A_468] : memref<12500x8x64xf32, #tpu.memory_space<hbm>> -> memref<1x1x64xf32, #tpu.memory_space<hbm>>
      %dma_start3A_470 = tpu.memref_squeeze %dma_start3A_469 : memref<1x1x64xf32, #tpu.memory_space<hbm>> -> memref<1x64xf32, #tpu.memory_space<hbm>>
      tpu.enqueue_dma source(%dma_start3A_470 : memref<1x64xf32, #tpu.memory_space<hbm>>) target(%dma_start3A_467 : memref<1x64xf32, #tpu.memory_space<vmem>>) target_semaphore(%arg7 : memref<!tpu.dma_semaphore, #tpu.memory_space<semaphore_mem>>)
      %scan3A_471 = arith.constant 1 : i32
      %scan3A_472 = arith.addi %scan3A_150, %scan3A_471 : i32
      %mul3A_473 = arith.constant 16 : i32
      %mul3A_474 = arith.muli %scan3A_472, %mul3A_473 : i32
      %get3A_475 = arith.index_cast %mul3A_474 : i32 to index
      %get3A_476 = tpu.vector_load %arg5[%get3A_475] {strides = array<i32>} : memref<512xi32, #tpu.memory_space<vmem>>, vector<16xi32>,
      %get3A_477 = vector.shape_cast %get3A_476 : vector<16xi32> to vector<16xi32>
      %slice3A_478 = vector.extract_strided_slice %get3A_477 {offsets = [0], sizes = [1], strides = [1]} : vector<16xi32> to vector<1xi32>
      %squeeze3A_479 = vector.extract %slice3A_478[0] : i32 from vector<1xi32>
      %shift_right_arithmetic3A_480 = arith.constant 3 : i32
      %shift_right_arithmetic3A_481 = arith.shrsi %squeeze3A_479, %shift_right_arithmetic3A_480 : i32
      %and3A_482 = arith.constant 7 : i32
      %and3A_483 = arith.andi %squeeze3A_479, %and3A_482 : i32
      %mul3A_484 = arith.constant 16 : i32
      %mul3A_485 = arith.muli %scan3A_472, %mul3A_484 : i32
      %add3A_486 = arith.constant 0 : i32
      %add3A_487 = arith.addi %mul3A_485, %add3A_486 : i32
      %dma_start3A_488 = arith.constant 0 : i32
      %dma_start3A_489 = tpu.memref_slice %arg6[%add3A_487, %dma_start3A_488] : memref<512x64xf32, #tpu.memory_space<vmem>> -> memref<1x64xf32, #tpu.memory_space<vmem>>
      %dma_start3A_490 = arith.constant 0 : i32
      %dma_start3A_491 = tpu.memref_slice %arg3[%shift_right_arithmetic3A_481, %and3A_483, %dma_start3A_490] : memref<12500x8x64xf32, #tpu.memory_space<hbm>> -> memref<1x1x64xf32, #tpu.memory_space<hbm>>
      %dma_start3A_492 = tpu.memref_squeeze %dma_start3A_491 : memref<1x1x64xf32, #tpu.memory_space<hbm>> -> memref<1x64xf32, #tpu.memory_space<hbm>>
      %dma_start3A_493 = arith.constant 0 : i32
      %dma_start3A_494 = tpu.memref_slice %arg6[%add3A_487, %dma_start3A_493] : memref<512x64xf32, #tpu.memory_space<vmem>> -> memref<1x64xf32, #tpu.memory_space<vmem>>
      %dma_start3A_495 = arith.constant 0 : i32
      %dma_start3A_496 = tpu.memref_slice %arg3[%shift_right_arithmetic3A_481, %and3A_483, %dma_start3A_495] : memref<12500x8x64xf32, #tpu.memory_space<hbm>> -> memref<1x1x64xf32, #tpu.memory_space<hbm>>
      %dma_start3A_497 = tpu.memref_squeeze %dma_start3A_496 : memref<1x1x64xf32, #tpu.memory_space<hbm>> -> memref<1x64xf32, #tpu.memory_space<hbm>>
      tpu.enqueue_dma source(%dma_start3A_497 : memref<1x64xf32, #tpu.memory_space<hbm>>) target(%dma_start3A_494 : memref<1x64xf32, #tpu.memory_space<vmem>>) target_semaphore(%arg7 : memref<!tpu.dma_semaphore, #tpu.memory_space<semaphore_mem>>)
      %slice3A_498 = vector.extract_strided_slice %get3A_477 {offsets = [1], sizes = [1], strides = [1]} : vector<16xi32> to vector<1xi32>
      %squeeze3A_499 = vector.extract %slice3A_498[0] : i32 from vector<1xi32>
      %shift_right_arithmetic3A_500 = arith.constant 3 : i32
      %shift_right_arithmetic3A_501 = arith.shrsi %squeeze3A_499, %shift_right_arithmetic3A_500 : i32
      %and3A_502 = arith.constant 7 : i32
      %and3A_503 = arith.andi %squeeze3A_499, %and3A_502 : i32
      %mul3A_504 = arith.constant 16 : i32
      %mul3A_505 = arith.muli %scan3A_472, %mul3A_504 : i32
      %add3A_506 = arith.constant 1 : i32
      %add3A_507 = arith.addi %mul3A_505, %add3A_506 : i32
      %dma_start3A_508 = arith.constant 0 : i32
      %dma_start3A_509 = tpu.memref_slice %arg6[%add3A_507, %dma_start3A_508] : memref<512x64xf32, #tpu.memory_space<vmem>> -> memref<1x64xf32, #tpu.memory_space<vmem>>
      %dma_start3A_510 = arith.constant 0 : i32
      %dma_start3A_511 = tpu.memref_slice %arg3[%shift_right_arithmetic3A_501, %and3A_503, %dma_start3A_510] : memref<12500x8x64xf32, #tpu.memory_space<hbm>> -> memref<1x1x64xf32, #tpu.memory_space<hbm>>
      %dma_start3A_512 = tpu.memref_squeeze %dma_start3A_511 : memref<1x1x64xf32, #tpu.memory_space<hbm>> -> memref<1x64xf32, #tpu.memory_space<hbm>>
      %dma_start3A_513 = arith.constant 0 : i32
      %dma_start3A_514 = tpu.memref_slice %arg6[%add3A_507, %dma_start3A_513] : memref<512x64xf32, #tpu.memory_space<vmem>> -> memref<1x64xf32, #tpu.memory_space<vmem>>
      %dma_start3A_515 = arith.constant 0 : i32
      %dma_start3A_516 = tpu.memref_slice %arg3[%shift_right_arithmetic3A_501, %and3A_503, %dma_start3A_515] : memref<12500x8x64xf32, #tpu.memory_space<hbm>> -> memref<1x1x64xf32, #tpu.memory_space<hbm>>
      %dma_start3A_517 = tpu.memref_squeeze %dma_start3A_516 : memref<1x1x64xf32, #tpu.memory_space<hbm>> -> memref<1x64xf32, #tpu.memory_space<hbm>>
      tpu.enqueue_dma source(%dma_start3A_517 : memref<1x64xf32, #tpu.memory_space<hbm>>) target(%dma_start3A_514 : memref<1x64xf32, #tpu.memory_space<vmem>>) target_semaphore(%arg7 : memref<!tpu.dma_semaphore, #tpu.memory_space<semaphore_mem>>)
      %slice3A_518 = vector.extract_strided_slice %get3A_477 {offsets = [2], sizes = [1], strides = [1]} : vector<16xi32> to vector<1xi32>
      %squeeze3A_519 = vector.extract %slice3A_518[0] : i32 from vector<1xi32>
      %shift_right_arithmetic3A_520 = arith.constant 3 : i32
      %shift_right_arithmetic3A_521 = arith.shrsi %squeeze3A_519, %shift_right_arithmetic3A_520 : i32
      %and3A_522 = arith.constant 7 : i32
      %and3A_523 = arith.andi %squeeze3A_519, %and3A_522 : i32
      %mul3A_524 = arith.constant 16 : i32
      %mul3A_525 = arith.muli %scan3A_472, %mul3A_524 : i32
      %add3A_526 = arith.constant 2 : i32
      %add3A_527 = arith.addi %mul3A_525, %add3A_526 : i32
      %dma_start3A_528 = arith.constant 0 : i32
      %dma_start3A_529 = tpu.memref_slice %arg6[%add3A_527, %dma_start3A_528] : memref<512x64xf32, #tpu.memory_space<vmem>> -> memref<1x64xf32, #tpu.memory_space<vmem>>
      %dma_start3A_530 = arith.constant 0 : i32
      %dma_start3A_531 = tpu.memref_slice %arg3[%shift_right_arithmetic3A_521, %and3A_523, %dma_start3A_530] : memref<12500x8x64xf32, #tpu.memory_space<hbm>> -> memref<1x1x64xf32, #tpu.memory_space<hbm>>
      %dma_start3A_532 = tpu.memref_squeeze %dma_start3A_531 : memref<1x1x64xf32, #tpu.memory_space<hbm>> -> memref<1x64xf32, #tpu.memory_space<hbm>>
      %dma_start3A_533 = arith.constant 0 : i32
      %dma_start3A_534 = tpu.memref_slice %arg6[%add3A_527, %dma_start3A_533] : memref<512x64xf32, #tpu.memory_space<vmem>> -> memref<1x64xf32, #tpu.memory_space<vmem>>
      %dma_start3A_535 = arith.constant 0 : i32
      %dma_start3A_536 = tpu.memref_slice %arg3[%shift_right_arithmetic3A_521, %and3A_523, %dma_start3A_535] : memref<12500x8x64xf32, #tpu.memory_space<hbm>> -> memref<1x1x64xf32, #tpu.memory_space<hbm>>
      %dma_start3A_537 = tpu.memref_squeeze %dma_start3A_536 : memref<1x1x64xf32, #tpu.memory_space<hbm>> -> memref<1x64xf32, #tpu.memory_space<hbm>>
      tpu.enqueue_dma source(%dma_start3A_537 : memref<1x64xf32, #tpu.memory_space<hbm>>) target(%dma_start3A_534 : memref<1x64xf32, #tpu.memory_space<vmem>>) target_semaphore(%arg7 : memref<!tpu.dma_semaphore, #tpu.memory_space<semaphore_mem>>)
      %slice3A_538 = vector.extract_strided_slice %get3A_477 {offsets = [3], sizes = [1], strides = [1]} : vector<16xi32> to vector<1xi32>
      %squeeze3A_539 = vector.extract %slice3A_538[0] : i32 from vector<1xi32>
      %shift_right_arithmetic3A_540 = arith.constant 3 : i32
      %shift_right_arithmetic3A_541 = arith.shrsi %squeeze3A_539, %shift_right_arithmetic3A_540 : i32
      %and3A_542 = arith.constant 7 : i32
      %and3A_543 = arith.andi %squeeze3A_539, %and3A_542 : i32
      %mul3A_544 = arith.constant 16 : i32
      %mul3A_545 = arith.muli %scan3A_472, %mul3A_544 : i32
      %add3A_546 = arith.constant 3 : i32
      %add3A_547 = arith.addi %mul3A_545, %add3A_546 : i32
      %dma_start3A_548 = arith.constant 0 : i32
      %dma_start3A_549 = tpu.memref_slice %arg6[%add3A_547, %dma_start3A_548] : memref<512x64xf32, #tpu.memory_space<vmem>> -> memref<1x64xf32, #tpu.memory_space<vmem>>
      %dma_start3A_550 = arith.constant 0 : i32
      %dma_start3A_551 = tpu.memref_slice %arg3[%shift_right_arithmetic3A_541, %and3A_543, %dma_start3A_550] : memref<12500x8x64xf32, #tpu.memory_space<hbm>> -> memref<1x1x64xf32, #tpu.memory_space<hbm>>
      %dma_start3A_552 = tpu.memref_squeeze %dma_start3A_551 : memref<1x1x64xf32, #tpu.memory_space<hbm>> -> memref<1x64xf32, #tpu.memory_space<hbm>>
      %dma_start3A_553 = arith.constant 0 : i32
      %dma_start3A_554 = tpu.memref_slice %arg6[%add3A_547, %dma_start3A_553] : memref<512x64xf32, #tpu.memory_space<vmem>> -> memref<1x64xf32, #tpu.memory_space<vmem>>
      %dma_start3A_555 = arith.constant 0 : i32
      %dma_start3A_556 = tpu.memref_slice %arg3[%shift_right_arithmetic3A_541, %and3A_543, %dma_start3A_555] : memref<12500x8x64xf32, #tpu.memory_space<hbm>> -> memref<1x1x64xf32, #tpu.memory_space<hbm>>
      %dma_start3A_557 = tpu.memref_squeeze %dma_start3A_556 : memref<1x1x64xf32, #tpu.memory_space<hbm>> -> memref<1x64xf32, #tpu.memory_space<hbm>>
      tpu.enqueue_dma source(%dma_start3A_557 : memref<1x64xf32, #tpu.memory_space<hbm>>) target(%dma_start3A_554 : memref<1x64xf32, #tpu.memory_space<vmem>>) target_semaphore(%arg7 : memref<!tpu.dma_semaphore, #tpu.memory_space<semaphore_mem>>)
      %slice3A_558 = vector.extract_strided_slice %get3A_477 {offsets = [4], sizes = [1], strides = [1]} : vector<16xi32> to vector<1xi32>
      %squeeze3A_559 = vector.extract %slice3A_558[0] : i32 from vector<1xi32>
      %shift_right_arithmetic3A_560 = arith.constant 3 : i32
      %shift_right_arithmetic3A_561 = arith.shrsi %squeeze3A_559, %shift_right_arithmetic3A_560 : i32
      %and3A_562 = arith.constant 7 : i32
      %and3A_563 = arith.andi %squeeze3A_559, %and3A_562 : i32
      %mul3A_564 = arith.constant 16 : i32
      %mul3A_565 = arith.muli %scan3A_472, %mul3A_564 : i32
      %add3A_566 = arith.constant 4 : i32
      %add3A_567 = arith.addi %mul3A_565, %add3A_566 : i32
      %dma_start3A_568 = arith.constant 0 : i32
      %dma_start3A_569 = tpu.memref_slice %arg6[%add3A_567, %dma_start3A_568] : memref<512x64xf32, #tpu.memory_space<vmem>> -> memref<1x64xf32, #tpu.memory_space<vmem>>
      %dma_start3A_570 = arith.constant 0 : i32
      %dma_start3A_571 = tpu.memref_slice %arg3[%shift_right_arithmetic3A_561, %and3A_563, %dma_start3A_570] : memref<12500x8x64xf32, #tpu.memory_space<hbm>> -> memref<1x1x64xf32, #tpu.memory_space<hbm>>
      %dma_start3A_572 = tpu.memref_squeeze %dma_start3A_571 : memref<1x1x64xf32, #tpu.memory_space<hbm>> -> memref<1x64xf32, #tpu.memory_space<hbm>>
      %dma_start3A_573 = arith.constant 0 : i32
      %dma_start3A_574 = tpu.memref_slice %arg6[%add3A_567, %dma_start3A_573] : memref<512x64xf32, #tpu.memory_space<vmem>> -> memref<1x64xf32, #tpu.memory_space<vmem>>
      %dma_start3A_575 = arith.constant 0 : i32
      %dma_start3A_576 = tpu.memref_slice %arg3[%shift_right_arithmetic3A_561, %and3A_563, %dma_start3A_575] : memref<12500x8x64xf32, #tpu.memory_space<hbm>> -> memref<1x1x64xf32, #tpu.memory_space<hbm>>
      %dma_start3A_577 = tpu.memref_squeeze %dma_start3A_576 : memref<1x1x64xf32, #tpu.memory_space<hbm>> -> memref<1x64xf32, #tpu.memory_space<hbm>>
      tpu.enqueue_dma source(%dma_start3A_577 : memref<1x64xf32, #tpu.memory_space<hbm>>) target(%dma_start3A_574 : memref<1x64xf32, #tpu.memory_space<vmem>>) target_semaphore(%arg7 : memref<!tpu.dma_semaphore, #tpu.memory_space<semaphore_mem>>)
      %slice3A_578 = vector.extract_strided_slice %get3A_477 {offsets = [5], sizes = [1], strides = [1]} : vector<16xi32> to vector<1xi32>
      %squeeze3A_579 = vector.extract %slice3A_578[0] : i32 from vector<1xi32>
      %shift_right_arithmetic3A_580 = arith.constant 3 : i32
      %shift_right_arithmetic3A_581 = arith.shrsi %squeeze3A_579, %shift_right_arithmetic3A_580 : i32
      %and3A_582 = arith.constant 7 : i32
      %and3A_583 = arith.andi %squeeze3A_579, %and3A_582 : i32
      %mul3A_584 = arith.constant 16 : i32
      %mul3A_585 = arith.muli %scan3A_472, %mul3A_584 : i32
      %add3A_586 = arith.constant 5 : i32
      %add3A_587 = arith.addi %mul3A_585, %add3A_586 : i32
      %dma_start3A_588 = arith.constant 0 : i32
      %dma_start3A_589 = tpu.memref_slice %arg6[%add3A_587, %dma_start3A_588] : memref<512x64xf32, #tpu.memory_space<vmem>> -> memref<1x64xf32, #tpu.memory_space<vmem>>
      %dma_start3A_590 = arith.constant 0 : i32
      %dma_start3A_591 = tpu.memref_slice %arg3[%shift_right_arithmetic3A_581, %and3A_583, %dma_start3A_590] : memref<12500x8x64xf32, #tpu.memory_space<hbm>> -> memref<1x1x64xf32, #tpu.memory_space<hbm>>
      %dma_start3A_592 = tpu.memref_squeeze %dma_start3A_591 : memref<1x1x64xf32, #tpu.memory_space<hbm>> -> memref<1x64xf32, #tpu.memory_space<hbm>>
      %dma_start3A_593 = arith.constant 0 : i32
      %dma_start3A_594 = tpu.memref_slice %arg6[%add3A_587, %dma_start3A_593] : memref<512x64xf32, #tpu.memory_space<vmem>> -> memref<1x64xf32, #tpu.memory_space<vmem>>
      %dma_start3A_595 = arith.constant 0 : i32
      %dma_start3A_596 = tpu.memref_slice %arg3[%shift_right_arithmetic3A_581, %and3A_583, %dma_start3A_595] : memref<12500x8x64xf32, #tpu.memory_space<hbm>> -> memref<1x1x64xf32, #tpu.memory_space<hbm>>
      %dma_start3A_597 = tpu.memref_squeeze %dma_start3A_596 : memref<1x1x64xf32, #tpu.memory_space<hbm>> -> memref<1x64xf32, #tpu.memory_space<hbm>>
      tpu.enqueue_dma source(%dma_start3A_597 : memref<1x64xf32, #tpu.memory_space<hbm>>) target(%dma_start3A_594 : memref<1x64xf32, #tpu.memory_space<vmem>>) target_semaphore(%arg7 : memref<!tpu.dma_semaphore, #tpu.memory_space<semaphore_mem>>)
      %slice3A_598 = vector.extract_strided_slice %get3A_477 {offsets = [6], sizes = [1], strides = [1]} : vector<16xi32> to vector<1xi32>
      %squeeze3A_599 = vector.extract %slice3A_598[0] : i32 from vector<1xi32>
      %shift_right_arithmetic3A_600 = arith.constant 3 : i32
      %shift_right_arithmetic3A_601 = arith.shrsi %squeeze3A_599, %shift_right_arithmetic3A_600 : i32
      %and3A_602 = arith.constant 7 : i32
      %and3A_603 = arith.andi %squeeze3A_599, %and3A_602 : i32
      %mul3A_604 = arith.constant 16 : i32
      %mul3A_605 = arith.muli %scan3A_472, %mul3A_604 : i32
      %add3A_606 = arith.constant 6 : i32
      %add3A_607 = arith.addi %mul3A_605, %add3A_606 : i32
      %dma_start3A_608 = arith.constant 0 : i32
      %dma_start3A_609 = tpu.memref_slice %arg6[%add3A_607, %dma_start3A_608] : memref<512x64xf32, #tpu.memory_space<vmem>> -> memref<1x64xf32, #tpu.memory_space<vmem>>
      %dma_start3A_610 = arith.constant 0 : i32
      %dma_start3A_611 = tpu.memref_slice %arg3[%shift_right_arithmetic3A_601, %and3A_603, %dma_start3A_610] : memref<12500x8x64xf32, #tpu.memory_space<hbm>> -> memref<1x1x64xf32, #tpu.memory_space<hbm>>
      %dma_start3A_612 = tpu.memref_squeeze %dma_start3A_611 : memref<1x1x64xf32, #tpu.memory_space<hbm>> -> memref<1x64xf32, #tpu.memory_space<hbm>>
      %dma_start3A_613 = arith.constant 0 : i32
      %dma_start3A_614 = tpu.memref_slice %arg6[%add3A_607, %dma_start3A_613] : memref<512x64xf32, #tpu.memory_space<vmem>> -> memref<1x64xf32, #tpu.memory_space<vmem>>
      %dma_start3A_615 = arith.constant 0 : i32
      %dma_start3A_616 = tpu.memref_slice %arg3[%shift_right_arithmetic3A_601, %and3A_603, %dma_start3A_615] : memref<12500x8x64xf32, #tpu.memory_space<hbm>> -> memref<1x1x64xf32, #tpu.memory_space<hbm>>
      %dma_start3A_617 = tpu.memref_squeeze %dma_start3A_616 : memref<1x1x64xf32, #tpu.memory_space<hbm>> -> memref<1x64xf32, #tpu.memory_space<hbm>>
      tpu.enqueue_dma source(%dma_start3A_617 : memref<1x64xf32, #tpu.memory_space<hbm>>) target(%dma_start3A_614 : memref<1x64xf32, #tpu.memory_space<vmem>>) target_semaphore(%arg7 : memref<!tpu.dma_semaphore, #tpu.memory_space<semaphore_mem>>)
      %slice3A_618 = vector.extract_strided_slice %get3A_477 {offsets = [7], sizes = [1], strides = [1]} : vector<16xi32> to vector<1xi32>
      %squeeze3A_619 = vector.extract %slice3A_618[0] : i32 from vector<1xi32>
      %shift_right_arithmetic3A_620 = arith.constant 3 : i32
      %shift_right_arithmetic3A_621 = arith.shrsi %squeeze3A_619, %shift_right_arithmetic3A_620 : i32
      %and3A_622 = arith.constant 7 : i32
      %and3A_623 = arith.andi %squeeze3A_619, %and3A_622 : i32
      %mul3A_624 = arith.constant 16 : i32
      %mul3A_625 = arith.muli %scan3A_472, %mul3A_624 : i32
      %add3A_626 = arith.constant 7 : i32
      %add3A_627 = arith.addi %mul3A_625, %add3A_626 : i32
      %dma_start3A_628 = arith.constant 0 : i32
      %dma_start3A_629 = tpu.memref_slice %arg6[%add3A_627, %dma_start3A_628] : memref<512x64xf32, #tpu.memory_space<vmem>> -> memref<1x64xf32, #tpu.memory_space<vmem>>
      %dma_start3A_630 = arith.constant 0 : i32
      %dma_start3A_631 = tpu.memref_slice %arg3[%shift_right_arithmetic3A_621, %and3A_623, %dma_start3A_630] : memref<12500x8x64xf32, #tpu.memory_space<hbm>> -> memref<1x1x64xf32, #tpu.memory_space<hbm>>
      %dma_start3A_632 = tpu.memref_squeeze %dma_start3A_631 : memref<1x1x64xf32, #tpu.memory_space<hbm>> -> memref<1x64xf32, #tpu.memory_space<hbm>>
      %dma_start3A_633 = arith.constant 0 : i32
      %dma_start3A_634 = tpu.memref_slice %arg6[%add3A_627, %dma_start3A_633] : memref<512x64xf32, #tpu.memory_space<vmem>> -> memref<1x64xf32, #tpu.memory_space<vmem>>
      %dma_start3A_635 = arith.constant 0 : i32
      %dma_start3A_636 = tpu.memref_slice %arg3[%shift_right_arithmetic3A_621, %and3A_623, %dma_start3A_635] : memref<12500x8x64xf32, #tpu.memory_space<hbm>> -> memref<1x1x64xf32, #tpu.memory_space<hbm>>
      %dma_start3A_637 = tpu.memref_squeeze %dma_start3A_636 : memref<1x1x64xf32, #tpu.memory_space<hbm>> -> memref<1x64xf32, #tpu.memory_space<hbm>>
      tpu.enqueue_dma source(%dma_start3A_637 : memref<1x64xf32, #tpu.memory_space<hbm>>) target(%dma_start3A_634 : memref<1x64xf32, #tpu.memory_space<vmem>>) target_semaphore(%arg7 : memref<!tpu.dma_semaphore, #tpu.memory_space<semaphore_mem>>)
      %slice3A_638 = vector.extract_strided_slice %get3A_477 {offsets = [8], sizes = [1], strides = [1]} : vector<16xi32> to vector<1xi32>
      %squeeze3A_639 = vector.extract %slice3A_638[0] : i32 from vector<1xi32>
      %shift_right_arithmetic3A_640 = arith.constant 3 : i32
      %shift_right_arithmetic3A_641 = arith.shrsi %squeeze3A_639, %shift_right_arithmetic3A_640 : i32
      %and3A_642 = arith.constant 7 : i32
      %and3A_643 = arith.andi %squeeze3A_639, %and3A_642 : i32
      %mul3A_644 = arith.constant 16 : i32
      %mul3A_645 = arith.muli %scan3A_472, %mul3A_644 : i32
      %add3A_646 = arith.constant 8 : i32
      %add3A_647 = arith.addi %mul3A_645, %add3A_646 : i32
      %dma_start3A_648 = arith.constant 0 : i32
      %dma_start3A_649 = tpu.memref_slice %arg6[%add3A_647, %dma_start3A_648] : memref<512x64xf32, #tpu.memory_space<vmem>> -> memref<1x64xf32, #tpu.memory_space<vmem>>
      %dma_start3A_650 = arith.constant 0 : i32
      %dma_start3A_651 = tpu.memref_slice %arg3[%shift_right_arithmetic3A_641, %and3A_643, %dma_start3A_650] : memref<12500x8x64xf32, #tpu.memory_space<hbm>> -> memref<1x1x64xf32, #tpu.memory_space<hbm>>
      %dma_start3A_652 = tpu.memref_squeeze %dma_start3A_651 : memref<1x1x64xf32, #tpu.memory_space<hbm>> -> memref<1x64xf32, #tpu.memory_space<hbm>>
      %dma_start3A_653 = arith.constant 0 : i32
      %dma_start3A_654 = tpu.memref_slice %arg6[%add3A_647, %dma_start3A_653] : memref<512x64xf32, #tpu.memory_space<vmem>> -> memref<1x64xf32, #tpu.memory_space<vmem>>
      %dma_start3A_655 = arith.constant 0 : i32
      %dma_start3A_656 = tpu.memref_slice %arg3[%shift_right_arithmetic3A_641, %and3A_643, %dma_start3A_655] : memref<12500x8x64xf32, #tpu.memory_space<hbm>> -> memref<1x1x64xf32, #tpu.memory_space<hbm>>
      %dma_start3A_657 = tpu.memref_squeeze %dma_start3A_656 : memref<1x1x64xf32, #tpu.memory_space<hbm>> -> memref<1x64xf32, #tpu.memory_space<hbm>>
      tpu.enqueue_dma source(%dma_start3A_657 : memref<1x64xf32, #tpu.memory_space<hbm>>) target(%dma_start3A_654 : memref<1x64xf32, #tpu.memory_space<vmem>>) target_semaphore(%arg7 : memref<!tpu.dma_semaphore, #tpu.memory_space<semaphore_mem>>)
      %slice3A_658 = vector.extract_strided_slice %get3A_477 {offsets = [9], sizes = [1], strides = [1]} : vector<16xi32> to vector<1xi32>
      %squeeze3A_659 = vector.extract %slice3A_658[0] : i32 from vector<1xi32>
      %shift_right_arithmetic3A_660 = arith.constant 3 : i32
      %shift_right_arithmetic3A_661 = arith.shrsi %squeeze3A_659, %shift_right_arithmetic3A_660 : i32
      %and3A_662 = arith.constant 7 : i32
      %and3A_663 = arith.andi %squeeze3A_659, %and3A_662 : i32
      %mul3A_664 = arith.constant 16 : i32
      %mul3A_665 = arith.muli %scan3A_472, %mul3A_664 : i32
      %add3A_666 = arith.constant 9 : i32
      %add3A_667 = arith.addi %mul3A_665, %add3A_666 : i32
      %dma_start3A_668 = arith.constant 0 : i32
      %dma_start3A_669 = tpu.memref_slice %arg6[%add3A_667, %dma_start3A_668] : memref<512x64xf32, #tpu.memory_space<vmem>> -> memref<1x64xf32, #tpu.memory_space<vmem>>
      %dma_start3A_670 = arith.constant 0 : i32
      %dma_start3A_671 = tpu.memref_slice %arg3[%shift_right_arithmetic3A_661, %and3A_663, %dma_start3A_670] : memref<12500x8x64xf32, #tpu.memory_space<hbm>> -> memref<1x1x64xf32, #tpu.memory_space<hbm>>
      %dma_start3A_672 = tpu.memref_squeeze %dma_start3A_671 : memref<1x1x64xf32, #tpu.memory_space<hbm>> -> memref<1x64xf32, #tpu.memory_space<hbm>>
      %dma_start3A_673 = arith.constant 0 : i32
      %dma_start3A_674 = tpu.memref_slice %arg6[%add3A_667, %dma_start3A_673] : memref<512x64xf32, #tpu.memory_space<vmem>> -> memref<1x64xf32, #tpu.memory_space<vmem>>
      %dma_start3A_675 = arith.constant 0 : i32
      %dma_start3A_676 = tpu.memref_slice %arg3[%shift_right_arithmetic3A_661, %and3A_663, %dma_start3A_675] : memref<12500x8x64xf32, #tpu.memory_space<hbm>> -> memref<1x1x64xf32, #tpu.memory_space<hbm>>
      %dma_start3A_677 = tpu.memref_squeeze %dma_start3A_676 : memref<1x1x64xf32, #tpu.memory_space<hbm>> -> memref<1x64xf32, #tpu.memory_space<hbm>>
      tpu.enqueue_dma source(%dma_start3A_677 : memref<1x64xf32, #tpu.memory_space<hbm>>) target(%dma_start3A_674 : memref<1x64xf32, #tpu.memory_space<vmem>>) target_semaphore(%arg7 : memref<!tpu.dma_semaphore, #tpu.memory_space<semaphore_mem>>)
      %slice3A_678 = vector.extract_strided_slice %get3A_477 {offsets = [10], sizes = [1], strides = [1]} : vector<16xi32> to vector<1xi32>
      %squeeze3A_679 = vector.extract %slice3A_678[0] : i32 from vector<1xi32>
      %shift_right_arithmetic3A_680 = arith.constant 3 : i32
      %shift_right_arithmetic3A_681 = arith.shrsi %squeeze3A_679, %shift_right_arithmetic3A_680 : i32
      %and3A_682 = arith.constant 7 : i32
      %and3A_683 = arith.andi %squeeze3A_679, %and3A_682 : i32
      %mul3A_684 = arith.constant 16 : i32
      %mul3A_685 = arith.muli %scan3A_472, %mul3A_684 : i32
      %add3A_686 = arith.constant 10 : i32
      %add3A_687 = arith.addi %mul3A_685, %add3A_686 : i32
      %dma_start3A_688 = arith.constant 0 : i32
      %dma_start3A_689 = tpu.memref_slice %arg6[%add3A_687, %dma_start3A_688] : memref<512x64xf32, #tpu.memory_space<vmem>> -> memref<1x64xf32, #tpu.memory_space<vmem>>
      %dma_start3A_690 = arith.constant 0 : i32
      %dma_start3A_691 = tpu.memref_slice %arg3[%shift_right_arithmetic3A_681, %and3A_683, %dma_start3A_690] : memref<12500x8x64xf32, #tpu.memory_space<hbm>> -> memref<1x1x64xf32, #tpu.memory_space<hbm>>
      %dma_start3A_692 = tpu.memref_squeeze %dma_start3A_691 : memref<1x1x64xf32, #tpu.memory_space<hbm>> -> memref<1x64xf32, #tpu.memory_space<hbm>>
      %dma_start3A_693 = arith.constant 0 : i32
      %dma_start3A_694 = tpu.memref_slice %arg6[%add3A_687, %dma_start3A_693] : memref<512x64xf32, #tpu.memory_space<vmem>> -> memref<1x64xf32, #tpu.memory_space<vmem>>
      %dma_start3A_695 = arith.constant 0 : i32
      %dma_start3A_696 = tpu.memref_slice %arg3[%shift_right_arithmetic3A_681, %and3A_683, %dma_start3A_695] : memref<12500x8x64xf32, #tpu.memory_space<hbm>> -> memref<1x1x64xf32, #tpu.memory_space<hbm>>
      %dma_start3A_697 = tpu.memref_squeeze %dma_start3A_696 : memref<1x1x64xf32, #tpu.memory_space<hbm>> -> memref<1x64xf32, #tpu.memory_space<hbm>>
      tpu.enqueue_dma source(%dma_start3A_697 : memref<1x64xf32, #tpu.memory_space<hbm>>) target(%dma_start3A_694 : memref<1x64xf32, #tpu.memory_space<vmem>>) target_semaphore(%arg7 : memref<!tpu.dma_semaphore, #tpu.memory_space<semaphore_mem>>)
      %slice3A_698 = vector.extract_strided_slice %get3A_477 {offsets = [11], sizes = [1], strides = [1]} : vector<16xi32> to vector<1xi32>
      %squeeze3A_699 = vector.extract %slice3A_698[0] : i32 from vector<1xi32>
      %shift_right_arithmetic3A_700 = arith.constant 3 : i32
      %shift_right_arithmetic3A_701 = arith.shrsi %squeeze3A_699, %shift_right_arithmetic3A_700 : i32
      %and3A_702 = arith.constant 7 : i32
      %and3A_703 = arith.andi %squeeze3A_699, %and3A_702 : i32
      %mul3A_704 = arith.constant 16 : i32
      %mul3A_705 = arith.muli %scan3A_472, %mul3A_704 : i32
      %add3A_706 = arith.constant 11 : i32
      %add3A_707 = arith.addi %mul3A_705, %add3A_706 : i32
      %dma_start3A_708 = arith.constant 0 : i32
      %dma_start3A_709 = tpu.memref_slice %arg6[%add3A_707, %dma_start3A_708] : memref<512x64xf32, #tpu.memory_space<vmem>> -> memref<1x64xf32, #tpu.memory_space<vmem>>
      %dma_start3A_710 = arith.constant 0 : i32
      %dma_start3A_711 = tpu.memref_slice %arg3[%shift_right_arithmetic3A_701, %and3A_703, %dma_start3A_710] : memref<12500x8x64xf32, #tpu.memory_space<hbm>> -> memref<1x1x64xf32, #tpu.memory_space<hbm>>
      %dma_start3A_712 = tpu.memref_squeeze %dma_start3A_711 : memref<1x1x64xf32, #tpu.memory_space<hbm>> -> memref<1x64xf32, #tpu.memory_space<hbm>>
      %dma_start3A_713 = arith.constant 0 : i32
      %dma_start3A_714 = tpu.memref_slice %arg6[%add3A_707, %dma_start3A_713] : memref<512x64xf32, #tpu.memory_space<vmem>> -> memref<1x64xf32, #tpu.memory_space<vmem>>
      %dma_start3A_715 = arith.constant 0 : i32
      %dma_start3A_716 = tpu.memref_slice %arg3[%shift_right_arithmetic3A_701, %and3A_703, %dma_start3A_715] : memref<12500x8x64xf32, #tpu.memory_space<hbm>> -> memref<1x1x64xf32, #tpu.memory_space<hbm>>
      %dma_start3A_717 = tpu.memref_squeeze %dma_start3A_716 : memref<1x1x64xf32, #tpu.memory_space<hbm>> -> memref<1x64xf32, #tpu.memory_space<hbm>>
      tpu.enqueue_dma source(%dma_start3A_717 : memref<1x64xf32, #tpu.memory_space<hbm>>) target(%dma_start3A_714 : memref<1x64xf32, #tpu.memory_space<vmem>>) target_semaphore(%arg7 : memref<!tpu.dma_semaphore, #tpu.memory_space<semaphore_mem>>)
      %slice3A_718 = vector.extract_strided_slice %get3A_477 {offsets = [12], sizes = [1], strides = [1]} : vector<16xi32> to vector<1xi32>
      %squeeze3A_719 = vector.extract %slice3A_718[0] : i32 from vector<1xi32>
      %shift_right_arithmetic3A_720 = arith.constant 3 : i32
      %shift_right_arithmetic3A_721 = arith.shrsi %squeeze3A_719, %shift_right_arithmetic3A_720 : i32
      %and3A_722 = arith.constant 7 : i32
      %and3A_723 = arith.andi %squeeze3A_719, %and3A_722 : i32
      %mul3A_724 = arith.constant 16 : i32
      %mul3A_725 = arith.muli %scan3A_472, %mul3A_724 : i32
      %add3A_726 = arith.constant 12 : i32
      %add3A_727 = arith.addi %mul3A_725, %add3A_726 : i32
      %dma_start3A_728 = arith.constant 0 : i32
      %dma_start3A_729 = tpu.memref_slice %arg6[%add3A_727, %dma_start3A_728] : memref<512x64xf32, #tpu.memory_space<vmem>> -> memref<1x64xf32, #tpu.memory_space<vmem>>
      %dma_start3A_730 = arith.constant 0 : i32
      %dma_start3A_731 = tpu.memref_slice %arg3[%shift_right_arithmetic3A_721, %and3A_723, %dma_start3A_730] : memref<12500x8x64xf32, #tpu.memory_space<hbm>> -> memref<1x1x64xf32, #tpu.memory_space<hbm>>
      %dma_start3A_732 = tpu.memref_squeeze %dma_start3A_731 : memref<1x1x64xf32, #tpu.memory_space<hbm>> -> memref<1x64xf32, #tpu.memory_space<hbm>>
      %dma_start3A_733 = arith.constant 0 : i32
      %dma_start3A_734 = tpu.memref_slice %arg6[%add3A_727, %dma_start3A_733] : memref<512x64xf32, #tpu.memory_space<vmem>> -> memref<1x64xf32, #tpu.memory_space<vmem>>
      %dma_start3A_735 = arith.constant 0 : i32
      %dma_start3A_736 = tpu.memref_slice %arg3[%shift_right_arithmetic3A_721, %and3A_723, %dma_start3A_735] : memref<12500x8x64xf32, #tpu.memory_space<hbm>> -> memref<1x1x64xf32, #tpu.memory_space<hbm>>
      %dma_start3A_737 = tpu.memref_squeeze %dma_start3A_736 : memref<1x1x64xf32, #tpu.memory_space<hbm>> -> memref<1x64xf32, #tpu.memory_space<hbm>>
      tpu.enqueue_dma source(%dma_start3A_737 : memref<1x64xf32, #tpu.memory_space<hbm>>) target(%dma_start3A_734 : memref<1x64xf32, #tpu.memory_space<vmem>>) target_semaphore(%arg7 : memref<!tpu.dma_semaphore, #tpu.memory_space<semaphore_mem>>)
      %slice3A_738 = vector.extract_strided_slice %get3A_477 {offsets = [13], sizes = [1], strides = [1]} : vector<16xi32> to vector<1xi32>
      %squeeze3A_739 = vector.extract %slice3A_738[0] : i32 from vector<1xi32>
      %shift_right_arithmetic3A_740 = arith.constant 3 : i32
      %shift_right_arithmetic3A_741 = arith.shrsi %squeeze3A_739, %shift_right_arithmetic3A_740 : i32
      %and3A_742 = arith.constant 7 : i32
      %and3A_743 = arith.andi %squeeze3A_739, %and3A_742 : i32
      %mul3A_744 = arith.constant 16 : i32
      %mul3A_745 = arith.muli %scan3A_472, %mul3A_744 : i32
      %add3A_746 = arith.constant 13 : i32
      %add3A_747 = arith.addi %mul3A_745, %add3A_746 : i32
      %dma_start3A_748 = arith.constant 0 : i32
      %dma_start3A_749 = tpu.memref_slice %arg6[%add3A_747, %dma_start3A_748] : memref<512x64xf32, #tpu.memory_space<vmem>> -> memref<1x64xf32, #tpu.memory_space<vmem>>
      %dma_start3A_750 = arith.constant 0 : i32
      %dma_start3A_751 = tpu.memref_slice %arg3[%shift_right_arithmetic3A_741, %and3A_743, %dma_start3A_750] : memref<12500x8x64xf32, #tpu.memory_space<hbm>> -> memref<1x1x64xf32, #tpu.memory_space<hbm>>
      %dma_start3A_752 = tpu.memref_squeeze %dma_start3A_751 : memref<1x1x64xf32, #tpu.memory_space<hbm>> -> memref<1x64xf32, #tpu.memory_space<hbm>>
      %dma_start3A_753 = arith.constant 0 : i32
      %dma_start3A_754 = tpu.memref_slice %arg6[%add3A_747, %dma_start3A_753] : memref<512x64xf32, #tpu.memory_space<vmem>> -> memref<1x64xf32, #tpu.memory_space<vmem>>
      %dma_start3A_755 = arith.constant 0 : i32
      %dma_start3A_756 = tpu.memref_slice %arg3[%shift_right_arithmetic3A_741, %and3A_743, %dma_start3A_755] : memref<12500x8x64xf32, #tpu.memory_space<hbm>> -> memref<1x1x64xf32, #tpu.memory_space<hbm>>
      %dma_start3A_757 = tpu.memref_squeeze %dma_start3A_756 : memref<1x1x64xf32, #tpu.memory_space<hbm>> -> memref<1x64xf32, #tpu.memory_space<hbm>>
      tpu.enqueue_dma source(%dma_start3A_757 : memref<1x64xf32, #tpu.memory_space<hbm>>) target(%dma_start3A_754 : memref<1x64xf32, #tpu.memory_space<vmem>>) target_semaphore(%arg7 : memref<!tpu.dma_semaphore, #tpu.memory_space<semaphore_mem>>)
      %slice3A_758 = vector.extract_strided_slice %get3A_477 {offsets = [14], sizes = [1], strides = [1]} : vector<16xi32> to vector<1xi32>
      %squeeze3A_759 = vector.extract %slice3A_758[0] : i32 from vector<1xi32>
      %shift_right_arithmetic3A_760 = arith.constant 3 : i32
      %shift_right_arithmetic3A_761 = arith.shrsi %squeeze3A_759, %shift_right_arithmetic3A_760 : i32
      %and3A_762 = arith.constant 7 : i32
      %and3A_763 = arith.andi %squeeze3A_759, %and3A_762 : i32
      %mul3A_764 = arith.constant 16 : i32
      %mul3A_765 = arith.muli %scan3A_472, %mul3A_764 : i32
      %add3A_766 = arith.constant 14 : i32
      %add3A_767 = arith.addi %mul3A_765, %add3A_766 : i32
      %dma_start3A_768 = arith.constant 0 : i32
      %dma_start3A_769 = tpu.memref_slice %arg6[%add3A_767, %dma_start3A_768] : memref<512x64xf32, #tpu.memory_space<vmem>> -> memref<1x64xf32, #tpu.memory_space<vmem>>
      %dma_start3A_770 = arith.constant 0 : i32
      %dma_start3A_771 = tpu.memref_slice %arg3[%shift_right_arithmetic3A_761, %and3A_763, %dma_start3A_770] : memref<12500x8x64xf32, #tpu.memory_space<hbm>> -> memref<1x1x64xf32, #tpu.memory_space<hbm>>
      %dma_start3A_772 = tpu.memref_squeeze %dma_start3A_771 : memref<1x1x64xf32, #tpu.memory_space<hbm>> -> memref<1x64xf32, #tpu.memory_space<hbm>>
      %dma_start3A_773 = arith.constant 0 : i32
      %dma_start3A_774 = tpu.memref_slice %arg6[%add3A_767, %dma_start3A_773] : memref<512x64xf32, #tpu.memory_space<vmem>> -> memref<1x64xf32, #tpu.memory_space<vmem>>
      %dma_start3A_775 = arith.constant 0 : i32
      %dma_start3A_776 = tpu.memref_slice %arg3[%shift_right_arithmetic3A_761, %and3A_763, %dma_start3A_775] : memref<12500x8x64xf32, #tpu.memory_space<hbm>> -> memref<1x1x64xf32, #tpu.memory_space<hbm>>
      %dma_start3A_777 = tpu.memref_squeeze %dma_start3A_776 : memref<1x1x64xf32, #tpu.memory_space<hbm>> -> memref<1x64xf32, #tpu.memory_space<hbm>>
      tpu.enqueue_dma source(%dma_start3A_777 : memref<1x64xf32, #tpu.memory_space<hbm>>) target(%dma_start3A_774 : memref<1x64xf32, #tpu.memory_space<vmem>>) target_semaphore(%arg7 : memref<!tpu.dma_semaphore, #tpu.memory_space<semaphore_mem>>)
      %slice3A_778 = vector.extract_strided_slice %get3A_477 {offsets = [15], sizes = [1], strides = [1]} : vector<16xi32> to vector<1xi32>
      %squeeze3A_779 = vector.extract %slice3A_778[0] : i32 from vector<1xi32>
      %shift_right_arithmetic3A_780 = arith.constant 3 : i32
      %shift_right_arithmetic3A_781 = arith.shrsi %squeeze3A_779, %shift_right_arithmetic3A_780 : i32
      %and3A_782 = arith.constant 7 : i32
      %and3A_783 = arith.andi %squeeze3A_779, %and3A_782 : i32
      %mul3A_784 = arith.constant 16 : i32
      %mul3A_785 = arith.muli %scan3A_472, %mul3A_784 : i32
      %add3A_786 = arith.constant 15 : i32
      %add3A_787 = arith.addi %mul3A_785, %add3A_786 : i32
      %dma_start3A_788 = arith.constant 0 : i32
      %dma_start3A_789 = tpu.memref_slice %arg6[%add3A_787, %dma_start3A_788] : memref<512x64xf32, #tpu.memory_space<vmem>> -> memref<1x64xf32, #tpu.memory_space<vmem>>
      %dma_start3A_790 = arith.constant 0 : i32
      %dma_start3A_791 = tpu.memref_slice %arg3[%shift_right_arithmetic3A_781, %and3A_783, %dma_start3A_790] : memref<12500x8x64xf32, #tpu.memory_space<hbm>> -> memref<1x1x64xf32, #tpu.memory_space<hbm>>
      %dma_start3A_792 = tpu.memref_squeeze %dma_start3A_791 : memref<1x1x64xf32, #tpu.memory_space<hbm>> -> memref<1x64xf32, #tpu.memory_space<hbm>>
      %dma_start3A_793 = arith.constant 0 : i32
      %dma_start3A_794 = tpu.memref_slice %arg6[%add3A_787, %dma_start3A_793] : memref<512x64xf32, #tpu.memory_space<vmem>> -> memref<1x64xf32, #tpu.memory_space<vmem>>
      %dma_start3A_795 = arith.constant 0 : i32
      %dma_start3A_796 = tpu.memref_slice %arg3[%shift_right_arithmetic3A_781, %and3A_783, %dma_start3A_795] : memref<12500x8x64xf32, #tpu.memory_space<hbm>> -> memref<1x1x64xf32, #tpu.memory_space<hbm>>
      %dma_start3A_797 = tpu.memref_squeeze %dma_start3A_796 : memref<1x1x64xf32, #tpu.memory_space<hbm>> -> memref<1x64xf32, #tpu.memory_space<hbm>>
      tpu.enqueue_dma source(%dma_start3A_797 : memref<1x64xf32, #tpu.memory_space<hbm>>) target(%dma_start3A_794 : memref<1x64xf32, #tpu.memory_space<vmem>>) target_semaphore(%arg7 : memref<!tpu.dma_semaphore, #tpu.memory_space<semaphore_mem>>)
    }
    %scan3A_7 = arith.constant 32 : i32
    %dma_wait3A = arith.constant 0 : i32
    %dma_wait3A_8 = arith.constant 0 : i32
    %dma_wait3A_9 = tpu.memref_slice %arg6[%dma_wait3A, %dma_wait3A_8] : memref<512x64xf32, #tpu.memory_space<vmem>> -> memref<128x64xf32, #tpu.memory_space<vmem>>
    %dma_wait3A_10 = arith.constant 0 : i32
    %dma_wait3A_11 = arith.constant 0 : i32
    %dma_wait3A_12 = arith.constant 0 : i32
    %dma_wait3A_13 = tpu.memref_slice %arg3[%dma_wait3A_10, %dma_wait3A_11, %dma_wait3A_12] : memref<12500x8x64xf32, #tpu.memory_space<hbm>> -> memref<16x8x64xf32, #tpu.memory_space<hbm>>
    %dma_wait3A_14 = arith.constant 0 : i32
    %dma_wait3A_15 = arith.constant 0 : i32
    %dma_wait3A_16 = tpu.memref_slice %arg6[%dma_wait3A_14, %dma_wait3A_15] : memref<512x64xf32, #tpu.memory_space<vmem>> -> memref<128x64xf32, #tpu.memory_space<vmem>>
    %dma_wait3A_17 = arith.constant 0 : i32
    %dma_wait3A_18 = arith.constant 0 : i32
    %dma_wait3A_19 = arith.constant 0 : i32
    %dma_wait3A_20 = tpu.memref_slice %arg3[%dma_wait3A_17, %dma_wait3A_18, %dma_wait3A_19] : memref<12500x8x64xf32, #tpu.memory_space<hbm>> -> memref<16x8x64xf32, #tpu.memory_space<hbm>>
    tpu.wait_dma2 semaphore(%arg7 : memref<!tpu.dma_semaphore, #tpu.memory_space<semaphore_mem>>) src(%dma_wait3A_20 : memref<16x8x64xf32, #tpu.memory_space<hbm>>) dst(%dma_wait3A_16 : memref<128x64xf32, #tpu.memory_space<vmem>>)
    %add3A_21 = arith.constant 0 : i32
    %add3A_22 = arith.addi %mul3A_2, %add3A_21 : i32
    %dma_start3A = arith.constant 0 : i32
    %dma_start3A_23 = arith.constant 0 : i32
    %dma_start3A_24 = tpu.memref_slice %arg6[%dma_start3A, %dma_start3A_23] : memref<512x64xf32, #tpu.memory_space<vmem>> -> memref<128x64xf32, #tpu.memory_space<vmem>>
    %dma_start3A_25 = arith.constant 0 : i32
    %dma_start3A_26 = tpu.memref_slice %arg4[%add3A_22, %dma_start3A_25] : memref<16384x64xf32, #tpu.memory_space<hbm>> -> memref<128x64xf32, #tpu.memory_space<hbm>>
    %dma_start3A_27 = arith.constant 0 : i32
    %dma_start3A_28 = tpu.memref_slice %arg4[%add3A_22, %dma_start3A_27] : memref<16384x64xf32, #tpu.memory_space<hbm>> -> memref<128x64xf32, #tpu.memory_space<hbm>>
    %dma_start3A_29 = arith.constant 0 : i32
    %dma_start3A_30 = arith.constant 0 : i32
    %dma_start3A_31 = tpu.memref_slice %arg6[%dma_start3A_29, %dma_start3A_30] : memref<512x64xf32, #tpu.memory_space<vmem>> -> memref<128x64xf32, #tpu.memory_space<vmem>>
    tpu.enqueue_dma source(%dma_start3A_31 : memref<128x64xf32, #tpu.memory_space<vmem>>) target(%dma_start3A_28 : memref<128x64xf32, #tpu.memory_space<hbm>>) target_semaphore(%arg8 : memref<!tpu.dma_semaphore, #tpu.memory_space<semaphore_mem>>)
    %dma_wait3A_32 = arith.constant 128 : i32
    %dma_wait3A_33 = arith.constant 0 : i32
    %dma_wait3A_34 = tpu.memref_slice %arg6[%dma_wait3A_32, %dma_wait3A_33] : memref<512x64xf32, #tpu.memory_space<vmem>> -> memref<128x64xf32, #tpu.memory_space<vmem>>
    %dma_wait3A_35 = arith.constant 0 : i32
    %dma_wait3A_36 = arith.constant 0 : i32
    %dma_wait3A_37 = arith.constant 0 : i32
    %dma_wait3A_38 = tpu.memref_slice %arg3[%dma_wait3A_35, %dma_wait3A_36, %dma_wait3A_37] : memref<12500x8x64xf32, #tpu.memory_space<hbm>> -> memref<16x8x64xf32, #tpu.memory_space<hbm>>
    %dma_wait3A_39 = arith.constant 128 : i32
    %dma_wait3A_40 = arith.constant 0 : i32
    %dma_wait3A_41 = tpu.memref_slice %arg6[%dma_wait3A_39, %dma_wait3A_40] : memref<512x64xf32, #tpu.memory_space<vmem>> -> memref<128x64xf32, #tpu.memory_space<vmem>>
    %dma_wait3A_42 = arith.constant 0 : i32
    %dma_wait3A_43 = arith.constant 0 : i32
    %dma_wait3A_44 = arith.constant 0 : i32
    %dma_wait3A_45 = tpu.memref_slice %arg3[%dma_wait3A_42, %dma_wait3A_43, %dma_wait3A_44] : memref<12500x8x64xf32, #tpu.memory_space<hbm>> -> memref<16x8x64xf32, #tpu.memory_space<hbm>>
    tpu.wait_dma2 semaphore(%arg7 : memref<!tpu.dma_semaphore, #tpu.memory_space<semaphore_mem>>) src(%dma_wait3A_45 : memref<16x8x64xf32, #tpu.memory_space<hbm>>) dst(%dma_wait3A_41 : memref<128x64xf32, #tpu.memory_space<vmem>>)
    %add3A_46 = arith.constant 128 : i32
    %add3A_47 = arith.addi %mul3A_2, %add3A_46 : i32
    %dma_start3A_48 = arith.constant 128 : i32
    %dma_start3A_49 = arith.constant 0 : i32
    %dma_start3A_50 = tpu.memref_slice %arg6[%dma_start3A_48, %dma_start3A_49] : memref<512x64xf32, #tpu.memory_space<vmem>> -> memref<128x64xf32, #tpu.memory_space<vmem>>
    %dma_start3A_51 = arith.constant 0 : i32
    %dma_start3A_52 = tpu.memref_slice %arg4[%add3A_47, %dma_start3A_51] : memref<16384x64xf32, #tpu.memory_space<hbm>> -> memref<128x64xf32, #tpu.memory_space<hbm>>
    %dma_start3A_53 = arith.constant 0 : i32
    %dma_start3A_54 = tpu.memref_slice %arg4[%add3A_47, %dma_start3A_53] : memref<16384x64xf32, #tpu.memory_space<hbm>> -> memref<128x64xf32, #tpu.memory_space<hbm>>
    %dma_start3A_55 = arith.constant 128 : i32
    %dma_start3A_56 = arith.constant 0 : i32
    %dma_start3A_57 = tpu.memref_slice %arg6[%dma_start3A_55, %dma_start3A_56] : memref<512x64xf32, #tpu.memory_space<vmem>> -> memref<128x64xf32, #tpu.memory_space<vmem>>
    tpu.enqueue_dma source(%dma_start3A_57 : memref<128x64xf32, #tpu.memory_space<vmem>>) target(%dma_start3A_54 : memref<128x64xf32, #tpu.memory_space<hbm>>) target_semaphore(%arg8 : memref<!tpu.dma_semaphore, #tpu.memory_space<semaphore_mem>>)
    %dma_wait3A_58 = arith.constant 256 : i32
    %dma_wait3A_59 = arith.constant 0 : i32
    %dma_wait3A_60 = tpu.memref_slice %arg6[%dma_wait3A_58, %dma_wait3A_59] : memref<512x64xf32, #tpu.memory_space<vmem>> -> memref<128x64xf32, #tpu.memory_space<vmem>>
    %dma_wait3A_61 = arith.constant 0 : i32
    %dma_wait3A_62 = arith.constant 0 : i32
    %dma_wait3A_63 = arith.constant 0 : i32
    %dma_wait3A_64 = tpu.memref_slice %arg3[%dma_wait3A_61, %dma_wait3A_62, %dma_wait3A_63] : memref<12500x8x64xf32, #tpu.memory_space<hbm>> -> memref<16x8x64xf32, #tpu.memory_space<hbm>>
    %dma_wait3A_65 = arith.constant 256 : i32
    %dma_wait3A_66 = arith.constant 0 : i32
    %dma_wait3A_67 = tpu.memref_slice %arg6[%dma_wait3A_65, %dma_wait3A_66] : memref<512x64xf32, #tpu.memory_space<vmem>> -> memref<128x64xf32, #tpu.memory_space<vmem>>
    %dma_wait3A_68 = arith.constant 0 : i32
    %dma_wait3A_69 = arith.constant 0 : i32
    %dma_wait3A_70 = arith.constant 0 : i32
    %dma_wait3A_71 = tpu.memref_slice %arg3[%dma_wait3A_68, %dma_wait3A_69, %dma_wait3A_70] : memref<12500x8x64xf32, #tpu.memory_space<hbm>> -> memref<16x8x64xf32, #tpu.memory_space<hbm>>
    tpu.wait_dma2 semaphore(%arg7 : memref<!tpu.dma_semaphore, #tpu.memory_space<semaphore_mem>>) src(%dma_wait3A_71 : memref<16x8x64xf32, #tpu.memory_space<hbm>>) dst(%dma_wait3A_67 : memref<128x64xf32, #tpu.memory_space<vmem>>)
    %add3A_72 = arith.constant 256 : i32
    %add3A_73 = arith.addi %mul3A_2, %add3A_72 : i32
    %dma_start3A_74 = arith.constant 256 : i32
    %dma_start3A_75 = arith.constant 0 : i32
    %dma_start3A_76 = tpu.memref_slice %arg6[%dma_start3A_74, %dma_start3A_75] : memref<512x64xf32, #tpu.memory_space<vmem>> -> memref<128x64xf32, #tpu.memory_space<vmem>>
    %dma_start3A_77 = arith.constant 0 : i32
    %dma_start3A_78 = tpu.memref_slice %arg4[%add3A_73, %dma_start3A_77] : memref<16384x64xf32, #tpu.memory_space<hbm>> -> memref<128x64xf32, #tpu.memory_space<hbm>>
    %dma_start3A_79 = arith.constant 0 : i32
    %dma_start3A_80 = tpu.memref_slice %arg4[%add3A_73, %dma_start3A_79] : memref<16384x64xf32, #tpu.memory_space<hbm>> -> memref<128x64xf32, #tpu.memory_space<hbm>>
    %dma_start3A_81 = arith.constant 256 : i32
    %dma_start3A_82 = arith.constant 0 : i32
    %dma_start3A_83 = tpu.memref_slice %arg6[%dma_start3A_81, %dma_start3A_82] : memref<512x64xf32, #tpu.memory_space<vmem>> -> memref<128x64xf32, #tpu.memory_space<vmem>>
    tpu.enqueue_dma source(%dma_start3A_83 : memref<128x64xf32, #tpu.memory_space<vmem>>) target(%dma_start3A_80 : memref<128x64xf32, #tpu.memory_space<hbm>>) target_semaphore(%arg8 : memref<!tpu.dma_semaphore, #tpu.memory_space<semaphore_mem>>)
    %dma_wait3A_84 = arith.constant 384 : i32
    %dma_wait3A_85 = arith.constant 0 : i32
    %dma_wait3A_86 = tpu.memref_slice %arg6[%dma_wait3A_84, %dma_wait3A_85] : memref<512x64xf32, #tpu.memory_space<vmem>> -> memref<128x64xf32, #tpu.memory_space<vmem>>
    %dma_wait3A_87 = arith.constant 0 : i32
    %dma_wait3A_88 = arith.constant 0 : i32
    %dma_wait3A_89 = arith.constant 0 : i32
    %dma_wait3A_90 = tpu.memref_slice %arg3[%dma_wait3A_87, %dma_wait3A_88, %dma_wait3A_89] : memref<12500x8x64xf32, #tpu.memory_space<hbm>> -> memref<16x8x64xf32, #tpu.memory_space<hbm>>
    %dma_wait3A_91 = arith.constant 384 : i32
    %dma_wait3A_92 = arith.constant 0 : i32
    %dma_wait3A_93 = tpu.memref_slice %arg6[%dma_wait3A_91, %dma_wait3A_92] : memref<512x64xf32, #tpu.memory_space<vmem>> -> memref<128x64xf32, #tpu.memory_space<vmem>>
    %dma_wait3A_94 = arith.constant 0 : i32
    %dma_wait3A_95 = arith.constant 0 : i32
    %dma_wait3A_96 = arith.constant 0 : i32
    %dma_wait3A_97 = tpu.memref_slice %arg3[%dma_wait3A_94, %dma_wait3A_95, %dma_wait3A_96] : memref<12500x8x64xf32, #tpu.memory_space<hbm>> -> memref<16x8x64xf32, #tpu.memory_space<hbm>>
    tpu.wait_dma2 semaphore(%arg7 : memref<!tpu.dma_semaphore, #tpu.memory_space<semaphore_mem>>) src(%dma_wait3A_97 : memref<16x8x64xf32, #tpu.memory_space<hbm>>) dst(%dma_wait3A_93 : memref<128x64xf32, #tpu.memory_space<vmem>>)
    %add3A_98 = arith.constant 384 : i32
    %add3A_99 = arith.addi %mul3A_2, %add3A_98 : i32
    %dma_start3A_100 = arith.constant 384 : i32
    %dma_start3A_101 = arith.constant 0 : i32
    %dma_start3A_102 = tpu.memref_slice %arg6[%dma_start3A_100, %dma_start3A_101] : memref<512x64xf32, #tpu.memory_space<vmem>> -> memref<128x64xf32, #tpu.memory_space<vmem>>
    %dma_start3A_103 = arith.constant 0 : i32
    %dma_start3A_104 = tpu.memref_slice %arg4[%add3A_99, %dma_start3A_103] : memref<16384x64xf32, #tpu.memory_space<hbm>> -> memref<128x64xf32, #tpu.memory_space<hbm>>
    %dma_start3A_105 = arith.constant 0 : i32
    %dma_start3A_106 = tpu.memref_slice %arg4[%add3A_99, %dma_start3A_105] : memref<16384x64xf32, #tpu.memory_space<hbm>> -> memref<128x64xf32, #tpu.memory_space<hbm>>
    %dma_start3A_107 = arith.constant 384 : i32
    %dma_start3A_108 = arith.constant 0 : i32
    %dma_start3A_109 = tpu.memref_slice %arg6[%dma_start3A_107, %dma_start3A_108] : memref<512x64xf32, #tpu.memory_space<vmem>> -> memref<128x64xf32, #tpu.memory_space<vmem>>
    tpu.enqueue_dma source(%dma_start3A_109 : memref<128x64xf32, #tpu.memory_space<vmem>>) target(%dma_start3A_106 : memref<128x64xf32, #tpu.memory_space<hbm>>) target_semaphore(%arg8 : memref<!tpu.dma_semaphore, #tpu.memory_space<semaphore_mem>>)
    %dma_wait3A_110 = arith.constant 0 : i32
    %dma_wait3A_111 = arith.constant 0 : i32
    %dma_wait3A_112 = tpu.memref_slice %arg6[%dma_wait3A_110, %dma_wait3A_111] : memref<512x64xf32, #tpu.memory_space<vmem>> -> memref<128x64xf32, #tpu.memory_space<vmem>>
    %dma_wait3A_113 = arith.constant 0 : i32
    %dma_wait3A_114 = tpu.memref_slice %arg4[%add3A_22, %dma_wait3A_113] : memref<16384x64xf32, #tpu.memory_space<hbm>> -> memref<128x64xf32, #tpu.memory_space<hbm>>
    %dma_wait3A_115 = arith.constant 0 : i32
    %dma_wait3A_116 = tpu.memref_slice %arg4[%add3A_22, %dma_wait3A_115] : memref<16384x64xf32, #tpu.memory_space<hbm>> -> memref<128x64xf32, #tpu.memory_space<hbm>>
    %dma_wait3A_117 = arith.constant 0 : i32
    %dma_wait3A_118 = arith.constant 0 : i32
    %dma_wait3A_119 = tpu.memref_slice %arg6[%dma_wait3A_117, %dma_wait3A_118] : memref<512x64xf32, #tpu.memory_space<vmem>> -> memref<128x64xf32, #tpu.memory_space<vmem>>
    tpu.wait_dma2 semaphore(%arg8 : memref<!tpu.dma_semaphore, #tpu.memory_space<semaphore_mem>>) src(%dma_wait3A_119 : memref<128x64xf32, #tpu.memory_space<vmem>>) dst(%dma_wait3A_116 : memref<128x64xf32, #tpu.memory_space<hbm>>)
    %dma_wait3A_120 = arith.constant 128 : i32
    %dma_wait3A_121 = arith.constant 0 : i32
    %dma_wait3A_122 = tpu.memref_slice %arg6[%dma_wait3A_120, %dma_wait3A_121] : memref<512x64xf32, #tpu.memory_space<vmem>> -> memref<128x64xf32, #tpu.memory_space<vmem>>
    %dma_wait3A_123 = arith.constant 0 : i32
    %dma_wait3A_124 = tpu.memref_slice %arg4[%add3A_47, %dma_wait3A_123] : memref<16384x64xf32, #tpu.memory_space<hbm>> -> memref<128x64xf32, #tpu.memory_space<hbm>>
    %dma_wait3A_125 = arith.constant 0 : i32
    %dma_wait3A_126 = tpu.memref_slice %arg4[%add3A_47, %dma_wait3A_125] : memref<16384x64xf32, #tpu.memory_space<hbm>> -> memref<128x64xf32, #tpu.memory_space<hbm>>
    %dma_wait3A_127 = arith.constant 128 : i32
    %dma_wait3A_128 = arith.constant 0 : i32
    %dma_wait3A_129 = tpu.memref_slice %arg6[%dma_wait3A_127, %dma_wait3A_128] : memref<512x64xf32, #tpu.memory_space<vmem>> -> memref<128x64xf32, #tpu.memory_space<vmem>>
    tpu.wait_dma2 semaphore(%arg8 : memref<!tpu.dma_semaphore, #tpu.memory_space<semaphore_mem>>) src(%dma_wait3A_129 : memref<128x64xf32, #tpu.memory_space<vmem>>) dst(%dma_wait3A_126 : memref<128x64xf32, #tpu.memory_space<hbm>>)
    %dma_wait3A_130 = arith.constant 256 : i32
    %dma_wait3A_131 = arith.constant 0 : i32
    %dma_wait3A_132 = tpu.memref_slice %arg6[%dma_wait3A_130, %dma_wait3A_131] : memref<512x64xf32, #tpu.memory_space<vmem>> -> memref<128x64xf32, #tpu.memory_space<vmem>>
    %dma_wait3A_133 = arith.constant 0 : i32
    %dma_wait3A_134 = tpu.memref_slice %arg4[%add3A_73, %dma_wait3A_133] : memref<16384x64xf32, #tpu.memory_space<hbm>> -> memref<128x64xf32, #tpu.memory_space<hbm>>
    %dma_wait3A_135 = arith.constant 0 : i32
    %dma_wait3A_136 = tpu.memref_slice %arg4[%add3A_73, %dma_wait3A_135] : memref<16384x64xf32, #tpu.memory_space<hbm>> -> memref<128x64xf32, #tpu.memory_space<hbm>>
    %dma_wait3A_137 = arith.constant 256 : i32
    %dma_wait3A_138 = arith.constant 0 : i32
    %dma_wait3A_139 = tpu.memref_slice %arg6[%dma_wait3A_137, %dma_wait3A_138] : memref<512x64xf32, #tpu.memory_space<vmem>> -> memref<128x64xf32, #tpu.memory_space<vmem>>
    tpu.wait_dma2 semaphore(%arg8 : memref<!tpu.dma_semaphore, #tpu.memory_space<semaphore_mem>>) src(%dma_wait3A_139 : memref<128x64xf32, #tpu.memory_space<vmem>>) dst(%dma_wait3A_136 : memref<128x64xf32, #tpu.memory_space<hbm>>)
    %dma_wait3A_140 = arith.constant 384 : i32
    %dma_wait3A_141 = arith.constant 0 : i32
    %dma_wait3A_142 = tpu.memref_slice %arg6[%dma_wait3A_140, %dma_wait3A_141] : memref<512x64xf32, #tpu.memory_space<vmem>> -> memref<128x64xf32, #tpu.memory_space<vmem>>
    %dma_wait3A_143 = arith.constant 0 : i32
    %dma_wait3A_144 = tpu.memref_slice %arg4[%add3A_99, %dma_wait3A_143] : memref<16384x64xf32, #tpu.memory_space<hbm>> -> memref<128x64xf32, #tpu.memory_space<hbm>>
    %dma_wait3A_145 = arith.constant 0 : i32
    %dma_wait3A_146 = tpu.memref_slice %arg4[%add3A_99, %dma_wait3A_145] : memref<16384x64xf32, #tpu.memory_space<hbm>> -> memref<128x64xf32, #tpu.memory_space<hbm>>
    %dma_wait3A_147 = arith.constant 384 : i32
    %dma_wait3A_148 = arith.constant 0 : i32
    %dma_wait3A_149 = tpu.memref_slice %arg6[%dma_wait3A_147, %dma_wait3A_148] : memref<512x64xf32, #tpu.memory_space<vmem>> -> memref<128x64xf32, #tpu.memory_space<vmem>>
    tpu.wait_dma2 semaphore(%arg8 : memref<!tpu.dma_semaphore, #tpu.memory_space<semaphore_mem>>) src(%dma_wait3A_149 : memref<128x64xf32, #tpu.memory_space<vmem>>) dst(%dma_wait3A_146 : memref<128x64xf32, #tpu.memory_space<hbm>>)
    return
  }
}

</mosaic_0001>

<sc_bundles>
// kernel: kernel.3.cloned.1.call-start
scs
__scs_entry_jumppad:
0x0: {  	(pc) =	sbr.rel $0x88, $3  }
0x1: {  	(tag) =	ssettag $0x0;
	lr =	simm.s32 $0x1  }
0x2: {  	[smem:$0x3F9F] =	sst lr;
	_ =	strace $0xD0000000  }
0x3: {  	_ = 	snop  }
0x4: {  	_ = 	snop  }
0x5: {  	_ = 	snop  }
0x6: {  	_ = 	snop  }
0x7: {  	_ = 	snop  }
__scs_overlays_trampoline_lowered:
0x8: {  	[smem:$0x3FAE] =	sst s0  }
0x9: {  	[smem:$0x3FAF] =	sst s1  }
0xa: {  	[smem:$0x3FB0] =	sst s2  }
0xb: {  	[smem:$0x3FB1] =	sst s3  }
0xc: {  	[smem:$0x3FB2] =	sst s4  }
0xd: {  	[smem:$0x3FB3] =	sst s5  }
0xe: {  	[smem:$0x3FB4] =	sst s6  }
0xf: {  	[smem:$0x3FB5] =	sst s7  }
0x10: {  	[smem:$0x3FB6] =	sst s8  }
0x11: {  	[smem:$0x3FB7] =	sst s9;
	s0 =	simm.s32 @!p0 $0x0  }
0x12: {  	s1 =	sld [smem:$0x3F9D];
	s0 =	simm.s32 @p0 $0x1  }
0x13: {  	[smem:$0x3FB8] =	sst s0;
	s0 =	simm.s32 @!p1 $0x0  }
0x14: {  	s2 =	sld [smem:$0x3F9C];
	s0 =	simm.s32 @p1 $0x1  }
0x15: {  	[smem:$0x3FB9] =	sst s0;
	s0 =	simm.s32 @!p2 $0x0  }
0x16: {  	s3 =	sld [smem:$0x3FDB];
	s0 =	simm.s32 @p2 $0x1  }
0x17: {  	s4 =	simm.s32 $0x1BF5;
	[smem:$0x3FBB] =	sst s0  }
0x18: {  	s0 =	sld [smem:$0x3F9E];
	_ =	swait.ge [sflag:s4], $0x0  }
0x19: {  	s7 =	sld [smem:$0x3F9F]  }
0x1a: {  	s8 =	sadd.s32 $0xFFFFE003, lr  }
0x1b: {  	s9 =	sadd.s32 $0xFFFFFEF7, lr;
	s5 =	simm.s32 $0xFFFFFFFF;
	p2 =	slt.u32 s8, $0xFFFFF086  }
0x1c: {  	p1 =	slt.u32 s9, $0xF7A;
	s5 =	simm.s32 @!p2 $0x0  }
0x1d: {  	s5 =	simm.s32 @p1 $0x1;
	p0 =	seq.s32 s7, s2  }
0x1e: {  	s7 =	smul.u32 @!p0 $0xF7A, s2;
	p2 =	seq.s32 @!p0 s5, $0x0  }
0x1f: {  	s9 =	smul.u32 $0xF7A, s1;
	s8 =	simm.s32 @!p0 $0x1BF5;
	p2 =	por !p2, p0  }
0x20: {  	[sflag:s8] =	ssyncset.s32 @!p0 $0xFFFFF086;
	s6 =	sadd.s32 @!p0 s3, s7;
	s7 =	simm.s32 @!p0 $0x108  }
0x21: {  	s3 =	sadd.s32 s3, s9;
	s6 =	sadd.s32 @!p0 $0x88, s6;
	s7 =	simm.s32 @p2 $0x1082  }
0x22: {  	[simem:s7], [sflag:s8] =	dma.local @!p0 [hbm:s6], $0xF7A  }
0x23: {  	s9 =	sor.u32 $0xD0000000, s2;
	s6 =	simm.s32 $0x108;
	_ =	swait.ge @!p0 [sflag:s8], $0x0  }
0x24: {  	s3 =	sadd.s32 $0x88, s3;
	s6 =	simm.s32 @!p1 $0x1082;
	[sflag:s4] =	ssyncset.s32 $0xFFFFF086  }
0x25: {  	[simem:s6], [sflag:s4] =	dma.local [hbm:s3], $0xF7A  }
0x26: {  	[smem:$0x3F9F] =	sst s1;
	(tag) =	ssettag s2;
	_ =	strace s9  }
0x27: {  	s1 =	sld [smem:$0x3FAF]  }
0x28: {  	s2 =	sld [smem:$0x3FB0]  }
0x29: {  	s4 =	sld [smem:$0x3FB2]  }
0x2a: {  	p0 =	seq.s32 s5, $0x0;
	s5 =	sld [smem:$0x3FB3]  }
0x2b: {  	s6 =	sld [smem:$0x3FB4]  }
0x2c: {  	s7 =	sld [smem:$0x3FB5]  }
0x2d: {  	s3 =	simm.s32 $0x108;
	s8 =	sld [smem:$0x3FB6]  }
0x2e: {  	s3 =	simm.s32 @!p0 $0x1082;
	s9 =	sld [smem:$0x3FB7]  }
0x2f: {  	lr =	sadd.s32 s0, s3;
	s0 =	sld [smem:$0x3FAE]  }
0x30: {  	s3 =	sld [smem:$0x3FB1]  }
0x31: {  	[smem:$0x3FBA] =	sst s10  }
0x32: {  	s10 =	sld [smem:$0x3FB8];
	_ =	sdelay $0x3  }
0x33: {  	p0 =	seq.s32 s10, $0x1;
	s10 =	sld [smem:$0x3FBA];
	_ =	sdelay $0x3  }
0x34: {  	[smem:$0x3FBA] =	sst s10  }
0x35: {  	s10 =	sld [smem:$0x3FB9];
	_ =	sdelay $0x3  }
0x36: {  	p1 =	seq.s32 s10, $0x1;
	s10 =	sld [smem:$0x3FBA];
	_ =	sdelay $0x3  }
0x37: {  	[smem:$0x3FBA] =	sst s10  }
0x38: {  	s10 =	sld [smem:$0x3FBB]  }
0x39: {  	_ = 	snop;
	(pc) =	sbr.ind lr, $3  }
0x3a: {  	_ = 	snop  }
0x3b: {  	_ = 	snop  }
0x3c: {  	p2 =	seq.s32 s10, $0x1;
	s10 =	sld [smem:$0x3FBA]  }
0x3d: {  	_ =	shalt  }
0x3e: {  	_ =	shalt  }
0x3f: {  	_ =	shalt  }
0x40: {  	_ =	shalt  }
0x41: {  	_ =	shalt  }
0x42: {  	_ =	shalt  }
0x43: {  	_ =	shalt  }
0x44: {  	_ =	shalt  }
0x45: {  	_ =	shalt  }
0x46: {  	_ =	shalt  }
0x47: {  	_ =	shalt  }
0x48: {  	_ =	shalt  }
0x49: {  	_ =	shalt  }
0x4a: {  	_ =	shalt  }
0x4b: {  	_ =	shalt  }
0x4c: {  	_ =	shalt  }
0x4d: {  	_ =	shalt  }
0x4e: {  	_ =	shalt  }
0x4f: {  	_ =	shalt  }
0x50: {  	_ =	shalt  }
0x51: {  	_ =	shalt  }
0x52: {  	_ =	shalt  }
0x53: {  	_ =	shalt  }
0x54: {  	_ =	shalt  }
0x55: {  	_ =	shalt  }
0x56: {  	_ =	shalt  }
0x57: {  	_ =	shalt  }
0x58: {  	_ =	shalt  }
0x59: {  	_ =	shalt  }
0x5a: {  	_ =	shalt  }
0x5b: {  	_ =	shalt  }
0x5c: {  	_ =	shalt  }
0x5d: {  	_ =	shalt  }
0x5e: {  	_ =	shalt  }
0x5f: {  	_ =	shalt  }
0x60: {  	_ =	shalt  }
0x61: {  	_ =	shalt  }
0x62: {  	_ =	shalt  }
0x63: {  	_ =	shalt  }
0x64: {  	_ =	shalt  }
0x65: {  	_ =	shalt  }
0x66: {  	_ =	shalt  }
0x67: {  	_ =	shalt  }
0x68: {  	_ =	shalt  }
0x69: {  	_ =	shalt  }
0x6a: {  	_ =	shalt  }
0x6b: {  	_ =	shalt  }
0x6c: {  	_ =	shalt  }
0x6d: {  	_ =	shalt  }
0x6e: {  	_ =	shalt  }
0x6f: {  	_ =	shalt  }
0x70: {  	_ =	shalt  }
0x71: {  	_ =	shalt  }
0x72: {  	_ =	shalt  }
0x73: {  	_ =	shalt  }
0x74: {  	_ =	shalt  }
0x75: {  	_ =	shalt  }
0x76: {  	_ =	shalt  }
0x77: {  	_ =	shalt  }
0x78: {  	_ =	shalt  }
0x79: {  	_ =	shalt  }
0x7a: {  	_ =	shalt  }
0x7b: {  	_ =	shalt  }
0x7c: {  	_ =	shalt  }
0x7d: {  	_ =	shalt  }
0x7e: {  	_ =	shalt  }
0x7f: {  	_ =	shalt  }
0x80: {  	_ =	shalt  }
0x81: {  	_ =	shalt  }
0x82: {  	_ =	shalt  }
0x83: {  	_ =	shalt  }
0x84: {  	_ =	shalt  }
0x85: {  	_ =	shalt  }
0x86: {  	_ =	shalt  }
0x87: {  	_ =	shalt  }
.Lfunc_end0:
.L_simem_size_0:
called_computation_lowered:
.L_overlay_start_0:
0x88: {  	s2 =	sld [smem:$0x3FD9]  }
0x89: {  	s3 =	sld [smem:$0x3FFE];
	_ =	sdelay $0x1  }
0x8a: {  	s1 =	srdreg.scid  }
0x8b: {  	s0 =	sand.u32 $0x1, s1  }
0x8c: {  	s17 =	sshll.u32 s0, $0xA;
	s2 =	sadd.s32 s3, s2  }
0x8d: {  	s2 =	sadd.s32 s2, s17  }
0x8e: {  	[smem:$0x3FC6] =	sst s2  }
0x8f: {  	_ = 	snop  }
0x90: {  	s2 =	sld [smem:$0x3FC9];
	(tm) =	ssettm $0x1  }
0x91: {  	s18 =	sld [smem:$0x3FFB];
	_ =	sdelay $0x3  }
0x92: {  	_ =	strace s18  }
0x93: {  	s3 =	sld [smem:$0x3FFC];
	_ =	sdelay $0x3  }
0x94: {  	_ =	strace s3  }
0x95: {  	s3 =	sld [smem:$0x3FFD];
	_ =	sdelay $0x3  }
0x96: {  	_ =	strace s3  }
0x97: {  	_ =	strace $0x8FFFFFFF  }
0x98: {  	s19 =	sld [smem:$0x3FDB];
	_ =	sdelay $0x1  }
0x99: {  	s4 =	simm.s32 $_scs_section_size  }
0x9a: {  	s5 =	simm.s32 $_size__tile_overlayer_lowered;
	s6 =	simm.s32 $_tile_overlayer_lowered  }
0x9b: {  	s22 =	simm.s32 $0x1BFF;
	s21 =	sshll.u32 s6, $0x1;
	s3 =	sadd.s32 s4, s19  }
0x9c: {  	s7 =	simm.s32 $0x0;
	s20 =	sshll.u32 s5, $0x1;
	s5 =	sadd.s32 s21, s3  }
0x9d: {  	[timem:s7], [sflag:s22] =	dma.local [hbm:s5], s20  }
0x9e: {  	_ =	swait.ge [sflag:s22], s20  }
0x9f: {  	s4 =	ssub.s32 $0x0, s20;
	[sflag:s22] =	ssyncset.done $0x0  }
0xa0: {  	[sflag:s22] =	ssyncadd.s32 s4;
	_ =	sdelay $0x1  }
0xa1: {  	s23 =	simm.s32 $0x1B8B  }
0xa2: {  	_ =	swait.ge [sflag:s23], $0x1  }
0xa3: {  	[sflag:s23] =	ssyncset.done $0x0  }
0xa4: {  	s25 =	simm.s32 $0x1B8E;
	s24 =	sld [smem:$0x3FFE];
	[sflag:s23] =	ssyncadd.s32 $0xFFFFFFFF  }
0xa5: {  	s26 =	simm.s32 $execute0_lowered;
	[smem:$0x3FD2] =	sst s25  }
0xa6: {  	s5 =	sshll.u32 s26, $0x1;
	_ =	strace $0x80000046;
	[dreg:$0x1] =	wrdreg $0xFFFFFFFF  }
0xa7: {  	s28 =	simm.s32 $_size_execute0_lowered;
	s3 =	sadd.s32 s3, s5;
	[dreg:$0x0] =	wrdreg $0x0  }
0xa8: {  	s5 =	sshll.u32 s28, $0x1;
	[dreg:$0x2] =	wrdreg s3  }
0xa9: {  	[dreg:$0x3] =	wrdreg s5  }
0xaa: {  	[dreg:$0x4] =	wrdreg $0xC0  }
0xab: {  	_ =	task [dreg:s7], $0x5FFFF  }
0xac: {  	[dreg:$0x1] =	wrdreg $0xFFFFFFFF  }
0xad: {  	[dreg:$0x0] =	wrdreg $0x60  }
0xae: {  	[dreg:$0x2] =	wrdreg s2  }
0xaf: {  	[dreg:$0x3] =	wrdreg s24  }
0xb0: {  	[dreg:$0x4] =	wrdreg $0x9  }
0xb1: {  	_ =	task.clear_ibuf [dreg:s7], $0x5FFFF;
	_ =	strace $0x90000046  }
0xb2: {  	s29 =	simm.s32 $0x9;
	_ =	strace $0x80000048  }
0xb3: {  	_ =	swait.ge [sflag:s29], $0x1  }
0xb4: {  	[sflag:s29] =	ssyncadd.s32 $0xFFFFFFFF  }
0xb5: {  	_ =	strace $0x90000048  }
0xb6: {  	_ =	sfence  }
0xb7: {  	s30 =	sld [smem:$0x0];
	_ =	sdelay $0x2  }
0xb8: {  	s31 =	sshll.u32 s1, $0xD;
	s1 =	sshrl.u32 s1, $0x2  }
0xb9: {  	s3 =	sand.u32 $0x4000, s31;
	s1 =	sadd.s32 s1, s30  }
0xba: {  	s0 =	sor.u32 s3, s0;
	s1 =	sshll.u32 s1, $0x11  }
0xbb: {  	s0 =	sor.u32 s1, s0  }
0xbc: {  	s0 =	sadd.s32 $0x8F2B, s0  }
0xbd: {  	[sflag:s0] =	ssyncadd.remote.s32 $0x1  }
0xbe: {  	_ =	sfence.sel $0xFFFF  }
0xbf: {  	[dreg:$0x0] =	wrdreg $0xFFFFFFFF;
	(pc) =	sbr.abs _section_cstart, $3  }
0xc0: {  	[dreg:$0x1] =	wrdreg $0xFFFFFFFF  }
0xc1: {  	_ =	task.clear_ibuf [dreg:s7], $0x2FFFF;
	_ =	strace $0x9FFFFFFF  }
0xc2: {  	(tm) =	ssettm $0x7FFFFFFF  }
0xc3: {  	_ =	shalt  }
tec
execute0_lowered:
.L_overlay_start_1:
0x0: {  	(tag) =	ssettag $0x1  }
0x1: {  	s6 =	rddreg [dreg:$0x0]  }
0x2: {  	s4 =	rddreg [dreg:$0x1]  }
0x3: {  	s2 =	srdreg.scid;
	s0 =	stileid.u32;
	s10 =	simm.s32 $0x3  }
0x4: {  	s11 =	simm.s32 $0x1;
	s16 =	simm.s32 $0x2;
	s17 =	simm.s32 $0x0  }
0x5: {  	s3 =	sand.u32 $0x1, s2;
	s2 =	simm.s32 $0x0;
	s5 =	sshll.u32 s0, $0xA  }
0x6: {  	s7 =	sshll.u32 s3, $0x9;
	[smem:$0x7FF] =	sst s2;
	s29 =	ssub.s32 $0x2, s3  }
0x7: {  	s3 =	sadd.s32 $0x400, s4;
	s5 =	sor.u32 s7, s5;
	_ =	strace $0x80000047  }
0x8: {  	s9 =	sshrl.u32 s29, $0x1;
	s8 =	sshll.u32 s5, $0x4;
	s30 =	sshrl.u32 s5, $0x3  }
0x9: {  	s9 =	ssub.s32 s29, s9;
	s8 =	sadd.s32 s8, s4;
	s6 =	sadd.s32 s6, s30  }
0xa: {  	s9 =	smax.u32 s9, $0x1;
	s31 =	sadd.s32 $0x186E00, s8;
	s5 =	sadd.s32 $0x187600, s8  }
0xb: {  	s7 =	sadd.s32 $0x187E00, s8;
	s8 =	sadd.s32 $0x188600, s8;
	[dreg:$0x3] =	wrdreg s31  }
.LBB2_1:
0xc: {  	[tilespmem:s2], [sflag:$0x3] =	stream.linear.gather [hbm4b:s6+s2], $0x200, $0x38;
	[tilespmem:$0x10200] =	vst v63  }
0xd: {  	_ =	swait.ge [sflag:s10], $0x200  }
0xe: {  	[sflag:s10] =	ssyncset.done $0x0  }
0xf: {  	s18 =	simm.s32 $0x10;
	[sflag:s10] =	ssyncadd.s32 $0xFFFFFE00  }
0x10: {  	v0 =	vld [tilespmem:s18+$0xFFFFFFF0];
	_ =	sdelay $0x4  }
0x11: {  	v0 =	vshll.u32 v0, $0x4  }
0x12: {  	(v2sf) =	vpush v0, $0x0  }
0x13: {  	(v2sf) =	vpush v0, $0x1  }
0x14: {  	(v2sf) =	vpush v0, $0x2;
	_ =	sdelay $0x1  }
0x15: {  	(v2sf) =	vpush v0, $0x3;
	_ =	sdelay $0x1  }
0x16: {  	(v2sf) =	vpush v0, $0x4;
	_ =	sdelay $0x1  }
0x17: {  	(v2sf) =	vpush v0, $0x5;
	_ =	sdelay $0x1  }
0x18: {  	(v2sf) =	vpush v0, $0x6  }
0x19: {  	s20 =	simm.s32 $0x800;
	s19 =	simm.s32 $0x880  }
0x1a: {  	s23 =	simm.s32 $0x680;
	s22 =	simm.s32 $0x700;
	s21 =	simm.s32 $0x780;
	(v2sf) =	vpush v0, $0x7  }
0x1b: {  	s24 =	simm.s32 $0x500;
	s25 =	simm.s32 $0x580;
	s26 =	simm.s32 $0x600  }
0x1c: {  	s28 =	simm.s32 $0x380;
	s29 =	simm.s32 $0x400;
	s30 =	simm.s32 $0x480;
	(v2sf) =	vpush v0, $0x8  }
0x1d: {  	s31 =	simm.s32 $0x280;
	s0 =	simm.s32 $0x300;
	s1 =	spop (v2sf)  }
0x1e: {  	s12 =	simm.s32 $0x200;
	s1 =	sand.u32 $0x1FFFFFF0, s1;
	s13 =	spop (v2sf);
	(v2sf) =	vpush v0, $0x9  }
0x1f: {  	s1 =	sadd.s32 s3, s1;
	s13 =	sand.u32 $0x1FFFFFF0, s13;
	s14 =	spop (v2sf)  }
0x20: {  	(v2sf) =	vpush v0, $0xA;
	[tilespmem:s12], [sflag:$0x1] =	stream.linear.gather [hbm4b:s1+s2], $0x80, $0x38;
	[tilespmem:$0x10200] =	vst v63  }
0x21: {  	s13 =	sadd.s32 s3, s13;
	s15 =	sand.u32 $0x1FFFFFF0, s14;
	s4 =	spop (v2sf)  }
0x22: {  	(v2sf) =	vpush v0, $0xB;
	[tilespmem:s31], [sflag:$0x1] =	stream.linear.gather [hbm4b:s13+s2], $0x80, $0x38;
	[tilespmem:$0x10200] =	vst v63  }
0x23: {  	s12 =	sadd.s32 s3, s15;
	s14 =	spop (v2sf);
	s13 =	sand.u32 $0x1FFFFFF0, s4  }
0x24: {  	(v2sf) =	vpush v0, $0xC;
	[tilespmem:s0], [sflag:$0x1] =	stream.linear.gather [hbm4b:s12+s2], $0x80, $0x38;
	[tilespmem:$0x10200] =	vst v63  }
0x25: {  	s31 =	sand.u32 $0x1FFFFFF0, s14;
	s4 =	spop (v2sf);
	s15 =	sadd.s32 s3, s13  }
0x26: {  	(v2sf) =	vpush v0, $0xD;
	[tilespmem:s28], [sflag:$0x1] =	stream.linear.gather [hbm4b:s15+s2], $0x80, $0x38;
	[tilespmem:$0x10200] =	vst v63  }
0x27: {  	s13 =	sadd.s32 s3, s31;
	s14 =	sand.u32 $0x1FFFFFF0, s4;
	s15 =	spop (v2sf)  }
0x28: {  	(v2sf) =	vpush v0, $0xE;
	[tilespmem:s29], [sflag:$0x1] =	stream.linear.gather [hbm4b:s13+s2], $0x80, $0x38;
	[tilespmem:$0x10200] =	vst v63  }
0x29: {  	s28 =	sadd.s32 s3, s14;
	s31 =	spop (v2sf);
	s29 =	sand.u32 $0x1FFFFFF0, s15  }
0x2a: {  	(v2sf) =	vpush v0, $0xF;
	[tilespmem:s30], [sflag:$0x1] =	stream.linear.gather [hbm4b:s28+s2], $0x80, $0x38;
	[tilespmem:$0x10200] =	vst v63  }
0x2b: {  	s12 =	sand.u32 $0x1FFFFFF0, s31;
	s13 =	spop (v2sf);
	s4 =	sadd.s32 s3, s29  }
0x2c: {  	[tilespmem:s24], [sflag:$0x1] =	stream.linear.gather [hbm4b:s4+s2], $0x80, $0x38;
	[tilespmem:$0x10200] =	vst v63  }
0x2d: {  	s14 =	sadd.s32 s3, s12;
	s15 =	sand.u32 $0x1FFFFFF0, s13;
	s24 =	spop (v2sf)  }
0x2e: {  	[tilespmem:s25], [sflag:$0x1] =	stream.linear.gather [hbm4b:s14+s2], $0x80, $0x38;
	[tilespmem:$0x10200] =	vst v63  }
0x2f: {  	s25 =	sadd.s32 s3, s15;
	s28 =	sand.u32 $0x1FFFFFF0, s24;
	s29 =	spop (v2sf)  }
0x30: {  	[tilespmem:s26], [sflag:$0x1] =	stream.linear.gather [hbm4b:s25+s2], $0x80, $0x38;
	[tilespmem:$0x10200] =	vst v63  }
0x31: {  	s30 =	sadd.s32 s3, s28;
	s31 =	sand.u32 $0x1FFFFFF0, s29;
	s4 =	spop (v2sf)  }
0x32: {  	[tilespmem:s23], [sflag:$0x1] =	stream.linear.gather [hbm4b:s30+s2], $0x80, $0x38;
	[tilespmem:$0x10200] =	vst v63  }
0x33: {  	s13 =	sadd.s32 s3, s31;
	s14 =	sand.u32 $0x1FFFFFF0, s4;
	s15 =	spop (v2sf)  }
0x34: {  	[tilespmem:s22], [sflag:$0x1] =	stream.linear.gather [hbm4b:s13+s2], $0x80, $0x38;
	[tilespmem:$0x10200] =	vst v63  }
0x35: {  	s24 =	spop (v2sf);
	s23 =	sand.u32 $0x1FFFFFF0, s15;
	s22 =	sadd.s32 s3, s14  }
0x36: {  	[tilespmem:s21], [sflag:$0x1] =	stream.linear.gather [hbm4b:s22+s2], $0x80, $0x38;
	[tilespmem:$0x10200] =	vst v63  }
0x37: {  	s26 =	sand.u32 $0x1FFFFFF0, s24;
	s25 =	sadd.s32 s3, s23;
	s28 =	spop (v2sf)  }
0x38: {  	[tilespmem:s20], [sflag:$0x1] =	stream.linear.gather [hbm4b:s25+s2], $0x80, $0x38;
	[tilespmem:$0x10200] =	vst v63  }
0x39: {  	s29 =	sadd.s32 s3, s26;
	s30 =	sand.u32 $0x1FFFFFF0, s28;
	s31 =	spop (v2sf)  }
0x3a: {  	[tilespmem:s19], [sflag:$0x1] =	stream.linear.gather [hbm4b:s29+s2], $0x80, $0x38;
	[tilespmem:$0x10200] =	vst v63  }
0x3b: {  	s4 =	simm.s32 $0x900;
	s1 =	sadd.s32 s3, s30;
	s12 =	sand.u32 $0x1FFFFFF0, s31  }
0x3c: {  	[tilespmem:s4], [sflag:$0x1] =	stream.linear.gather [hbm4b:s1+s2], $0x80, $0x38;
	[tilespmem:$0x10200] =	vst v63  }
0x3d: {  	s13 =	simm.s32 $0x980;
	s14 =	sadd.s32 s3, s12  }
0x3e: {  	[tilespmem:s13], [sflag:$0x1] =	stream.linear.gather [hbm4b:s14+s2], $0x80, $0x38;
	[tilespmem:$0x10200] =	vst v63  }
0x3f: {  	v63 =	vld [tilespmem:s18+$0x0];
	_ =	sdelay $0x4  }
0x40: {  	v0 =	vshll.u32 v63, $0x4  }
0x41: {  	(v2sf) =	vpush v0, $0x0  }
0x42: {  	(v2sf) =	vpush v0, $0x1  }
0x43: {  	(v2sf) =	vpush v0, $0x2;
	_ =	sdelay $0x1  }
0x44: {  	(v2sf) =	vpush v0, $0x3;
	_ =	sdelay $0x1  }
0x45: {  	(v2sf) =	vpush v0, $0x4;
	_ =	sdelay $0x1  }
0x46: {  	(v2sf) =	vpush v0, $0x5;
	_ =	sdelay $0x1  }
0x47: {  	(v2sf) =	vpush v0, $0x6  }
0x48: {  	s15 =	simm.s32 $0xA00  }
0x49: {  	s24 =	simm.s32 $0xB80;
	s23 =	simm.s32 $0xB00;
	s26 =	simm.s32 $0xA80;
	(v2sf) =	vpush v0, $0x7  }
0x4a: {  	s21 =	simm.s32 $0xC80;
	s22 =	simm.s32 $0xD00;
	s20 =	simm.s32 $0xF00  }
0x4b: {  	s12 =	simm.s32 $0xE00;
	s19 =	simm.s32 $0xF80;
	s1 =	simm.s32 $0xD80;
	(v2sf) =	vpush v0, $0x8  }
0x4c: {  	s13 =	simm.s32 $0xE80;
	s14 =	simm.s32 $0xC00;
	s28 =	spop (v2sf)  }
0x4d: {  	s18 =	simm.s32 $0x1000;
	(v2sf) =	vpush v0, $0x9;
	s25 =	sand.u32 $0x1FFFFFF0, s28;
	s29 =	spop (v2sf)  }
0x4e: {  	(v2sf) =	vpush v0, $0xA;
	s25 =	sadd.s32 s3, s25;
	s28 =	sand.u32 $0x1FFFFFF0, s29;
	s30 =	spop (v2sf)  }
0x4f: {  	[tilespmem:s15], [sflag:$0x1] =	stream.linear.gather [hbm4b:s25+s2], $0x80, $0x38;
	[tilespmem:$0x10200] =	vst v63  }
0x50: {  	(v2sf) =	vpush v0, $0xB;
	s31 =	sadd.s32 s3, s28;
	s4 =	sand.u32 $0x1FFFFFF0, s30;
	s15 =	spop (v2sf)  }
0x51: {  	[tilespmem:s26], [sflag:$0x1] =	stream.linear.gather [hbm4b:s31+s2], $0x80, $0x38;
	[tilespmem:$0x10200] =	vst v63  }
0x52: {  	s29 =	sand.u32 $0x1FFFFFF0, s15;
	s30 =	spop (v2sf);
	s26 =	sadd.s32 s3, s4  }
0x53: {  	(v2sf) =	vpush v0, $0xC;
	[tilespmem:s23], [sflag:$0x1] =	stream.linear.gather [hbm4b:s26+s2], $0x80, $0x38;
	[tilespmem:$0x10200] =	vst v63  }
0x54: {  	s31 =	sadd.s32 s3, s29;
	s4 =	sand.u32 $0x1FFFFFF0, s30;
	s15 =	spop (v2sf)  }
0x55: {  	(v2sf) =	vpush v0, $0xD;
	[tilespmem:s24], [sflag:$0x1] =	stream.linear.gather [hbm4b:s31+s2], $0x80, $0x38;
	[tilespmem:$0x10200] =	vst v63  }
0x56: {  	s25 =	sand.u32 $0x1FFFFFF0, s15;
	s26 =	spop (v2sf);
	s24 =	sadd.s32 s3, s4  }
0x57: {  	(v2sf) =	vpush v0, $0xE;
	[tilespmem:s14], [sflag:$0x1] =	stream.linear.gather [hbm4b:s24+s2], $0x80, $0x38;
	[tilespmem:$0x10200] =	vst v63  }
0x58: {  	s28 =	sadd.s32 s3, s25;
	s29 =	sand.u32 $0x1FFFFFF0, s26;
	s30 =	spop (v2sf)  }
0x59: {  	(v2sf) =	vpush v0, $0xF;
	[tilespmem:s21], [sflag:$0x1] =	stream.linear.gather [hbm4b:s28+s2], $0x80, $0x38;
	[tilespmem:$0x10200] =	vst v63  }
0x5a: {  	s31 =	sadd.s32 s3, s29;
	s4 =	sand.u32 $0x1FFFFFF0, s30;
	s15 =	spop (v2sf)  }
0x5b: {  	[tilespmem:s22], [sflag:$0x1] =	stream.linear.gather [hbm4b:s31+s2], $0x80, $0x38;
	[tilespmem:$0x10200] =	vst v63  }
0x5c: {  	s23 =	sadd.s32 s3, s4;
	s24 =	sand.u32 $0x1FFFFFF0, s15;
	s25 =	spop (v2sf)  }
0x5d: {  	s26 =	sadd.s32 s3, s24;
	s28 =	sand.u32 $0x1FFFFFF0, s25;
	s29 =	spop (v2sf)  }
0x5e: {  	[tilespmem:s1], [sflag:$0x1] =	stream.linear.gather [hbm4b:s23+s2], $0x80, $0x38;
	[tilespmem:$0x10200] =	vst v63  }
0x5f: {  	s30 =	sadd.s32 s3, s28;
	s31 =	sand.u32 $0x1FFFFFF0, s29;
	s4 =	spop (v2sf)  }
0x60: {  	s29 =	simm.s32 $0x1080;
	s14 =	sadd.s32 s3, s31;
	s15 =	sand.u32 $0x1FFFFFF0, s4  }
0x61: {  	[tilespmem:s12], [sflag:$0x1] =	stream.linear.gather [hbm4b:s26+s2], $0x80, $0x38;
	[tilespmem:$0x10200] =	vst v63  }
0x62: {  	s21 =	spop (v2sf);
	s31 =	simm.s32 $0x1100;
	s22 =	sadd.s32 s3, s15  }
0x63: {  	[tilespmem:s13], [sflag:$0x1] =	stream.linear.gather [hbm4b:s30+s2], $0x80, $0x38;
	[tilespmem:$0x10200] =	vst v63  }
0x64: {  	s23 =	sand.u32 $0x1FFFFFF0, s21;
	s24 =	spop (v2sf);
	s21 =	simm.s32 $0x1180  }
0x65: {  	[tilespmem:s20], [sflag:$0x1] =	stream.linear.gather [hbm4b:s14+s2], $0x80, $0x38;
	[tilespmem:$0x10200] =	vst v63  }
0x66: {  	s25 =	sadd.s32 s3, s23;
	s26 =	sand.u32 $0x1FFFFFF0, s24;
	s28 =	spop (v2sf)  }
0x67: {  	[tilespmem:s19], [sflag:$0x1] =	stream.linear.gather [hbm4b:s22+s2], $0x80, $0x38;
	[tilespmem:$0x10200] =	vst v63  }
0x68: {  	s1 =	sadd.s32 s3, s26;
	s12 =	sand.u32 $0x1FFFFFF0, s28;
	s30 =	spop (v2sf)  }
0x69: {  	[tilespmem:s18], [sflag:$0x1] =	stream.linear.gather [hbm4b:s25+s2], $0x80, $0x38;
	[tilespmem:$0x10200] =	vst v63  }
0x6a: {  	s12 =	sadd.s32 s3, s12;
	s0 =	sand.u32 $0x1FFFFFF0, s30;
	s20 =	simm.s32 $0x1A00  }
0x6b: {  	[tilespmem:s29], [sflag:$0x1] =	stream.linear.gather [hbm4b:s1+s2], $0x80, $0x38;
	[tilespmem:$0x10200] =	vst v63  }
0x6c: {  	s19 =	simm.s32 $0x30;
	s22 =	sadd.s32 s3, s0;
	s18 =	simm.s32 $0x0  }
0x6d: {  	[tilespmem:s31], [sflag:$0x1] =	stream.linear.gather [hbm4b:s12+s2], $0x80, $0x38;
	[tilespmem:$0x10200] =	vst v63  }
.LBB2_2:
0x6e: {  	[tilespmem:s21], [sflag:$0x1] =	stream.linear.gather [hbm4b:s22+s2], $0x80, $0x38;
	[tilespmem:$0x10200] =	vst v63  }
0x6f: {  	s18 =	sadd.s32 $0x2, s18  }
0x70: {  	p0 =	slt.u32 s18, $0x1E;
	v0 =	vld [tilespmem:s19+$0xFFFFFFF0];
	_ =	sdelay $0x4  }
0x71: {  	v0 =	vshll.u32 v0, $0x4  }
0x72: {  	(v2sf) =	vpush v0, $0x0  }
0x73: {  	(v2sf) =	vpush v0, $0x1  }
0x74: {  	(v2sf) =	vpush v0, $0x2;
	_ =	sdelay $0x1  }
0x75: {  	(v2sf) =	vpush v0, $0x3;
	_ =	sdelay $0x1  }
0x76: {  	(v2sf) =	vpush v0, $0x4;
	_ =	sdelay $0x1  }
0x77: {  	(v2sf) =	vpush v0, $0x5;
	_ =	sdelay $0x1  }
0x78: {  	(v2sf) =	vpush v0, $0x6  }
0x79: {  	s22 =	sadd.s32 $0xFFFFFE00, s20;
	s21 =	sadd.s32 $0xFFFFFE80, s20  }
0x7a: {  	s25 =	sadd.s32 $0xFFFFFC80, s20;
	s24 =	sadd.s32 $0xFFFFFD00, s20;
	s23 =	sadd.s32 $0xFFFFFD80, s20;
	(v2sf) =	vpush v0, $0x7  }
0x7b: {  	s29 =	sadd.s32 $0xFFFFFB00, s20;
	s28 =	sadd.s32 $0xFFFFFB80, s20;
	s26 =	sadd.s32 $0xFFFFFC00, s20  }
0x7c: {  	s0 =	sadd.s32 $0xFFFFF980, s20;
	s1 =	sadd.s32 $0xFFFFFA00, s20;
	s12 =	sadd.s32 $0xFFFFFA80, s20;
	(v2sf) =	vpush v0, $0x8  }
0x7d: {  	s13 =	sadd.s32 $0xFFFFF880, s20;
	s14 =	sadd.s32 $0xFFFFF900, s20;
	s30 =	spop (v2sf)  }
0x7e: {  	s31 =	sadd.s32 $0xFFFFF800, s20;
	s30 =	sand.u32 $0x1FFFFFF0, s30;
	s15 =	spop (v2sf);
	(v2sf) =	vpush v0, $0x9  }
0x7f: {  	s30 =	sadd.s32 s3, s30;
	s15 =	sand.u32 $0x1FFFFFF0, s15;
	s4 =	spop (v2sf)  }
0x80: {  	[tilespmem:s31], [sflag:$0x1] =	stream.linear.gather [hbm4b:s30+s2], $0x80, $0x38;
	(v2sf) =	vpush v0, $0xA;
	[tilespmem:$0x10200] =	vst v63  }
0x81: {  	s15 =	sadd.s32 s3, s15;
	s4 =	sand.u32 $0x1FFFFFF0, s4;
	s30 =	spop (v2sf)  }
0x82: {  	[tilespmem:s13], [sflag:$0x1] =	stream.linear.gather [hbm4b:s15+s2], $0x80, $0x38;
	(v2sf) =	vpush v0, $0xB;
	[tilespmem:$0x10200] =	vst v63  }
0x83: {  	s4 =	sadd.s32 s3, s4;
	s13 =	sand.u32 $0x1FFFFFF0, s30;
	s15 =	spop (v2sf)  }
0x84: {  	[tilespmem:s14], [sflag:$0x1] =	stream.linear.gather [hbm4b:s4+s2], $0x80, $0x38;
	(v2sf) =	vpush v0, $0xC;
	[tilespmem:$0x10200] =	vst v63  }
0x85: {  	s4 =	sadd.s32 s3, s13;
	s13 =	sand.u32 $0x1FFFFFF0, s15;
	s14 =	spop (v2sf)  }
0x86: {  	[tilespmem:s0], [sflag:$0x1] =	stream.linear.gather [hbm4b:s4+s2], $0x80, $0x38;
	(v2sf) =	vpush v0, $0xD;
	[tilespmem:$0x10200] =	vst v63  }
0x87: {  	s0 =	sadd.s32 s3, s13;
	s4 =	sand.u32 $0x1FFFFFF0, s14;
	s13 =	spop (v2sf)  }
0x88: {  	[tilespmem:s1], [sflag:$0x1] =	stream.linear.gather [hbm4b:s0+s2], $0x80, $0x38;
	(v2sf) =	vpush v0, $0xE;
	[tilespmem:$0x10200] =	vst v63  }
0x89: {  	s0 =	sadd.s32 s3, s4;
	s1 =	sand.u32 $0x1FFFFFF0, s13;
	s4 =	spop (v2sf)  }
0x8a: {  	[tilespmem:s12], [sflag:$0x1] =	stream.linear.gather [hbm4b:s0+s2], $0x80, $0x38;
	(v2sf) =	vpush v0, $0xF;
	[tilespmem:$0x10200] =	vst v63  }
0x8b: {  	s0 =	sadd.s32 s3, s1;
	s1 =	sand.u32 $0x1FFFFFF0, s4;
	s4 =	spop (v2sf)  }
0x8c: {  	[tilespmem:s29], [sflag:$0x1] =	stream.linear.gather [hbm4b:s0+s2], $0x80, $0x38;
	[tilespmem:$0x10200] =	vst v63  }
0x8d: {  	s0 =	sadd.s32 s3, s1;
	s1 =	sand.u32 $0x1FFFFFF0, s4;
	s4 =	spop (v2sf)  }
0x8e: {  	[tilespmem:s28], [sflag:$0x1] =	stream.linear.gather [hbm4b:s0+s2], $0x80, $0x38;
	[tilespmem:$0x10200] =	vst v63  }
0x8f: {  	s0 =	sadd.s32 s3, s1;
	s1 =	sand.u32 $0x1FFFFFF0, s4;
	s4 =	spop (v2sf)  }
0x90: {  	[tilespmem:s26], [sflag:$0x1] =	stream.linear.gather [hbm4b:s0+s2], $0x80, $0x38;
	[tilespmem:$0x10200] =	vst v63  }
0x91: {  	s0 =	sadd.s32 s3, s1;
	s1 =	sand.u32 $0x1FFFFFF0, s4;
	s4 =	spop (v2sf)  }
0x92: {  	[tilespmem:s25], [sflag:$0x1] =	stream.linear.gather [hbm4b:s0+s2], $0x80, $0x38;
	[tilespmem:$0x10200] =	vst v63  }
0x93: {  	s0 =	sadd.s32 s3, s1;
	s1 =	sand.u32 $0x1FFFFFF0, s4;
	s4 =	spop (v2sf)  }
0x94: {  	[tilespmem:s24], [sflag:$0x1] =	stream.linear.gather [hbm4b:s0+s2], $0x80, $0x38;
	[tilespmem:$0x10200] =	vst v63  }
0x95: {  	s0 =	sadd.s32 s3, s1;
	s1 =	sand.u32 $0x1FFFFFF0, s4;
	s4 =	spop (v2sf)  }
0x96: {  	[tilespmem:s23], [sflag:$0x1] =	stream.linear.gather [hbm4b:s0+s2], $0x80, $0x38;
	[tilespmem:$0x10200] =	vst v63  }
0x97: {  	s0 =	sadd.s32 s3, s1;
	s1 =	sand.u32 $0x1FFFFFF0, s4;
	s4 =	spop (v2sf)  }
0x98: {  	[tilespmem:s22], [sflag:$0x1] =	stream.linear.gather [hbm4b:s0+s2], $0x80, $0x38;
	[tilespmem:$0x10200] =	vst v63  }
0x99: {  	s0 =	sadd.s32 s3, s1;
	s1 =	sand.u32 $0x1FFFFFF0, s4;
	s4 =	spop (v2sf)  }
0x9a: {  	[tilespmem:s21], [sflag:$0x1] =	stream.linear.gather [hbm4b:s0+s2], $0x80, $0x38;
	[tilespmem:$0x10200] =	vst v63  }
0x9b: {  	s1 =	sadd.s32 s3, s1;
	s0 =	sadd.s32 $0xFFFFFF00, s20;
	s4 =	sand.u32 $0x1FFFFFF0, s4  }
0x9c: {  	[tilespmem:s0], [sflag:$0x1] =	stream.linear.gather [hbm4b:s1+s2], $0x80, $0x38;
	[tilespmem:$0x10200] =	vst v63  }
0x9d: {  	s0 =	sadd.s32 $0xFFFFFF80, s20;
	s1 =	sadd.s32 s3, s4  }
0x9e: {  	[tilespmem:s0], [sflag:$0x1] =	stream.linear.gather [hbm4b:s1+s2], $0x80, $0x38;
	[tilespmem:$0x10200] =	vst v63  }
0x9f: {  	v0 =	vld [tilespmem:s19+$0x0];
	_ =	sdelay $0x4  }
0xa0: {  	v0 =	vshll.u32 v0, $0x4  }
0xa1: {  	(v2sf) =	vpush v0, $0x0  }
0xa2: {  	(v2sf) =	vpush v0, $0x1  }
0xa3: {  	(v2sf) =	vpush v0, $0x2;
	_ =	sdelay $0x1  }
0xa4: {  	(v2sf) =	vpush v0, $0x3;
	_ =	sdelay $0x1  }
0xa5: {  	(v2sf) =	vpush v0, $0x4;
	_ =	sdelay $0x1  }
0xa6: {  	(v2sf) =	vpush v0, $0x5;
	_ =	sdelay $0x1  }
0xa7: {  	(v2sf) =	vpush v0, $0x6  }
0xa8: {  	s21 =	sadd.s32 $0x680, s20;
	s19 =	sadd.s32 $0x20, s19  }
0xa9: {  	s24 =	sadd.s32 $0x500, s20;
	s23 =	sadd.s32 $0x580, s20;
	s22 =	sadd.s32 $0x600, s20;
	(v2sf) =	vpush v0, $0x7  }
0xaa: {  	s28 =	sadd.s32 $0x380, s20;
	s26 =	sadd.s32 $0x400, s20;
	s25 =	sadd.s32 $0x480, s20  }
0xab: {  	s4 =	sadd.s32 $0x300, s20;
	s0 =	sadd.s32 $0x200, s20;
	s1 =	sadd.s32 $0x280, s20;
	(v2sf) =	vpush v0, $0x8  }
0xac: {  	s13 =	sadd.s32 $0x180, s20;
	s12 =	sadd.s32 $0x100, s20;
	s14 =	spop (v2sf)  }
0xad: {  	s15 =	sadd.s32 $0x80, s20;
	s14 =	sand.u32 $0x1FFFFFF0, s14;
	s29 =	spop (v2sf);
	(v2sf) =	vpush v0, $0x9  }
0xae: {  	s14 =	sadd.s32 s3, s14;
	s29 =	sand.u32 $0x1FFFFFF0, s29;
	s30 =	spop (v2sf)  }
0xaf: {  	[tilespmem:s20], [sflag:$0x1] =	stream.linear.gather [hbm4b:s14+s2], $0x80, $0x38;
	(v2sf) =	vpush v0, $0xA;
	[tilespmem:$0x10200] =	vst v63  }
0xb0: {  	s14 =	sadd.s32 s3, s29;
	s29 =	sand.u32 $0x1FFFFFF0, s30;
	s30 =	spop (v2sf)  }
0xb1: {  	[tilespmem:s15], [sflag:$0x1] =	stream.linear.gather [hbm4b:s14+s2], $0x80, $0x38;
	(v2sf) =	vpush v0, $0xB;
	[tilespmem:$0x10200] =	vst v63  }
0xb2: {  	s14 =	sadd.s32 s3, s29;
	s15 =	sand.u32 $0x1FFFFFF0, s30;
	s29 =	spop (v2sf)  }
0xb3: {  	[tilespmem:s12], [sflag:$0x1] =	stream.linear.gather [hbm4b:s14+s2], $0x80, $0x38;
	(v2sf) =	vpush v0, $0xC;
	[tilespmem:$0x10200] =	vst v63  }
0xb4: {  	s12 =	sadd.s32 s3, s15;
	s14 =	sand.u32 $0x1FFFFFF0, s29;
	s15 =	spop (v2sf)  }
0xb5: {  	[tilespmem:s13], [sflag:$0x1] =	stream.linear.gather [hbm4b:s12+s2], $0x80, $0x38;
	(v2sf) =	vpush v0, $0xD;
	[tilespmem:$0x10200] =	vst v63  }
0xb6: {  	s12 =	sadd.s32 s3, s14;
	s13 =	sand.u32 $0x1FFFFFF0, s15;
	s14 =	spop (v2sf)  }
0xb7: {  	[tilespmem:s0], [sflag:$0x1] =	stream.linear.gather [hbm4b:s12+s2], $0x80, $0x38;
	(v2sf) =	vpush v0, $0xE;
	[tilespmem:$0x10200] =	vst v63  }
0xb8: {  	s0 =	sadd.s32 s3, s13;
	s12 =	sand.u32 $0x1FFFFFF0, s14;
	s13 =	spop (v2sf)  }
0xb9: {  	[tilespmem:s1], [sflag:$0x1] =	stream.linear.gather [hbm4b:s0+s2], $0x80, $0x38;
	(v2sf) =	vpush v0, $0xF;
	[tilespmem:$0x10200] =	vst v63  }
0xba: {  	s0 =	sadd.s32 s3, s12;
	s1 =	sand.u32 $0x1FFFFFF0, s13;
	s12 =	spop (v2sf)  }
0xbb: {  	[tilespmem:s4], [sflag:$0x1] =	stream.linear.gather [hbm4b:s0+s2], $0x80, $0x38;
	[tilespmem:$0x10200] =	vst v63  }
0xbc: {  	s0 =	sadd.s32 s3, s1;
	s1 =	sand.u32 $0x1FFFFFF0, s12;
	s4 =	spop (v2sf)  }
0xbd: {  	[tilespmem:s28], [sflag:$0x1] =	stream.linear.gather [hbm4b:s0+s2], $0x80, $0x38;
	[tilespmem:$0x10200] =	vst v63  }
0xbe: {  	s0 =	sadd.s32 s3, s1;
	s1 =	sand.u32 $0x1FFFFFF0, s4;
	s4 =	spop (v2sf)  }
0xbf: {  	[tilespmem:s26], [sflag:$0x1] =	stream.linear.gather [hbm4b:s0+s2], $0x80, $0x38;
	[tilespmem:$0x10200] =	vst v63  }
0xc0: {  	s0 =	sadd.s32 s3, s1;
	s1 =	sand.u32 $0x1FFFFFF0, s4;
	s4 =	spop (v2sf)  }
0xc1: {  	[tilespmem:s25], [sflag:$0x1] =	stream.linear.gather [hbm4b:s0+s2], $0x80, $0x38;
	[tilespmem:$0x10200] =	vst v63  }
0xc2: {  	s0 =	sadd.s32 s3, s1;
	s1 =	sand.u32 $0x1FFFFFF0, s4;
	s4 =	spop (v2sf)  }
0xc3: {  	[tilespmem:s24], [sflag:$0x1] =	stream.linear.gather [hbm4b:s0+s2], $0x80, $0x38;
	[tilespmem:$0x10200] =	vst v63  }
0xc4: {  	s0 =	sadd.s32 s3, s1;
	s1 =	sand.u32 $0x1FFFFFF0, s4;
	s4 =	spop (v2sf)  }
0xc5: {  	[tilespmem:s23], [sflag:$0x1] =	stream.linear.gather [hbm4b:s0+s2], $0x80, $0x38;
	[tilespmem:$0x10200] =	vst v63  }
0xc6: {  	s0 =	sadd.s32 s3, s1;
	s1 =	sand.u32 $0x1FFFFFF0, s4;
	s4 =	spop (v2sf)  }
0xc7: {  	[tilespmem:s22], [sflag:$0x1] =	stream.linear.gather [hbm4b:s0+s2], $0x80, $0x38;
	[tilespmem:$0x10200] =	vst v63  }
0xc8: {  	s0 =	sadd.s32 s3, s1  }
.Ltmp0:
0xc9: {  	s1 =	sand.u32 $0x1FFFFFF0, s4;
	s4 =	spop (v2sf);
	(pc) =	sbr.rel @p0 .LBB2_2-.Ltmp0, $4  }
0xca: {  	[tilespmem:s21], [sflag:$0x1] =	stream.linear.gather [hbm4b:s0+s2], $0x80, $0x38;
	[tilespmem:$0x10200] =	vst v63  }
0xcb: {  	s1 =	sadd.s32 s3, s1;
	s0 =	sadd.s32 $0x700, s20;
	s4 =	sand.u32 $0x1FFFFFF0, s4  }
0xcc: {  	[tilespmem:s0], [sflag:$0x1] =	stream.linear.gather [hbm4b:s1+s2], $0x80, $0x38;
	[tilespmem:$0x10200] =	vst v63  }
0xcd: {  	s21 =	sadd.s32 $0x780, s20;
	s20 =	sadd.s32 $0x1000, s20;
	s22 =	sadd.s32 s3, s4  }
0xce: {  	[tilespmem:s21], [sflag:$0x1] =	stream.linear.gather [hbm4b:s22+s2], $0x80, $0x38;
	[tilespmem:$0x10200] =	vst v63  }
0xcf: {  	_ =	swait.ge [sflag:s11], $0x4000  }
0xd0: {  	[sflag:s11] =	ssyncset.done $0x0  }
0xd1: {  	s1 =	simm.s32 $0x200;
	s0 =	rddreg [dreg:$0x3];
	[sflag:s11] =	ssyncadd.s32 $0xFFFFC000  }
0xd2: {  	[hbm4b:s0+s2] =	stream.linear.scatter [tilespmem:s1], [sflag:$0x2], $0x4000, $0x38;
	[tilespmem:$0x10200] =	vst v63  }
0xd3: {  	_ =	swait.ge [sflag:s11], $0x4000  }
0xd4: {  	[sflag:s11] =	ssyncset.done $0x0  }
0xd5: {  	s29 =	simm.s32 $0x4200;
	[sflag:s11] =	ssyncadd.s32 $0xFFFFC000  }
0xd6: {  	[hbm4b:s5+s2] =	stream.linear.scatter [tilespmem:s29], [sflag:$0x2], $0x4000, $0x38;
	[tilespmem:$0x10200] =	vst v63  }
0xd7: {  	_ =	swait.ge [sflag:s11], $0x4000  }
0xd8: {  	[sflag:s11] =	ssyncset.done $0x0  }
0xd9: {  	s30 =	simm.s32 $0x8200;
	[sflag:s11] =	ssyncadd.s32 $0xFFFFC000  }
0xda: {  	[hbm4b:s7+s2] =	stream.linear.scatter [tilespmem:s30], [sflag:$0x2], $0x4000, $0x38;
	[tilespmem:$0x10200] =	vst v63  }
0xdb: {  	_ =	swait.ge [sflag:s11], $0x4000  }
0xdc: {  	[sflag:s11] =	ssyncset.done $0x0  }
0xdd: {  	s31 =	simm.s32 $0xC200;
	[sflag:s11] =	ssyncadd.s32 $0xFFFFC000  }
0xde: {  	[hbm4b:s8+s2] =	stream.linear.scatter [tilespmem:s31], [sflag:$0x2], $0x4000, $0x38;
	[tilespmem:$0x10200] =	vst v63  }
0xdf: {  	_ =	swait.ge [sflag:s16], $0x4000  }
0xe0: {  	[sflag:s16] =	ssyncset.done $0x0  }
0xe1: {  	[sflag:s16] =	ssyncadd.s32 $0xFFFFC000  }
0xe2: {  	_ =	swait.ge [sflag:s16], $0x4000  }
0xe3: {  	[sflag:s16] =	ssyncset.done $0x0  }
0xe4: {  	s17 =	sadd.s32 $0x1, s17;
	[sflag:s16] =	ssyncadd.s32 $0xFFFFC000  }
0xe5: {  	p0 =	sne.s32 s17, s9;
	_ =	swait.ge [sflag:s16], $0x4000  }
.Ltmp1:
0xe6: {  	[sflag:s16] =	ssyncset.done $0x0;
	(pc) =	sbr.rel @p0 .LBB2_1-.Ltmp1, $4  }
0xe7: {  	[sflag:s16] =	ssyncadd.s32 $0xFFFFC000  }
0xe8: {  	_ =	swait.ge [sflag:s16], $0x4000  }
0xe9: {  	[sflag:s16] =	ssyncset.done $0x0  }
0xea: {  	[sflag:s16] =	ssyncadd.s32 $0xFFFFC000  }
0xeb: {  	_ =	sfence.sel $0x180000  }
0xec: {  	[bflag:$0x0] =	sbarrier.arrive $0xFFFF  }
0xed: {  	_ =	strace $0x90000047  }
0xee: {  	s0 =	stileid.u32;
	[bflag:$0x2] =	sbarrier.arrive $0xFFFF  }
0xef: {  	p0 =	sne.s32 s0, $0x0;
	s0 =	rddreg [dreg:$0x2]  }
0xf0: {  	s0 =	sadd.s32 @!p0 $0x100000, s0  }
0xf1: {  	[sflag:s0] =	ssyncadd.tile.s32 @!p0 $0x1;
	_ =	shalt  }
.Lfunc_end2:
_tile_overlayer_lowered:
.L_overlay_start_2:
0xf2: {  	(tag) =	ssettag $0x2  }
0xf3: {  	s0 =	rddreg [dreg:$0x0];
	s2 =	stileid.u32  }
0xf4: {  	s1 =	rddreg [dreg:$0x1];
	p0 =	sne.s32 s2, $0x0  }
0xf5: {  	s3 =	rddreg [dreg:$0x2];
	[bflag:$0x3] =	sbarrier.arrive $0xFFFF;
	s2 =	simm.s32 @!p0 $0x1C03  }
0xf6: {  	[timem:s3], [sflag:s2] =	dma.local @!p0 [hbm:s0], s1  }
0xf7: {  	s0 =	simm.s32 @!p0 $0x3  }
0xf8: {  	_ =	swait.ge @!p0 [sflag:s0], s1  }
0xf9: {  	s1 =	ssub.s32 @!p0 $0x0, s1;
	[sflag:s0] =	ssyncset.done @!p0 $0x0  }
0xfa: {  	[sflag:s0] =	ssyncadd.s32 @!p0 s1  }
0xfb: {  	[bflag:$0x3] =	sbarrier.arrive $0xFFFF  }
0xfc: {  	_ =	shalt  }

</sc_bundles>
